<compile_context>
chip_gen: v7x
topology: tpu7x:2x2x1
jax: 0.10.2.dev20260603
libtpu: 0.0.44.dev20260713+nightly
codegen_flags: <defaults>
</compile_context>

<pallas_src>
import jax
import jax.numpy as jnp
from jax import lax
from jax.experimental import pallas as pl
from jax.experimental.pallas import tpu as pltpu
from jax.experimental.pallas import tpu_sc as plsc

GRAPH_NUM = 3
D = 128
NSAMP = 8192
HALF = NSAMP // 2
LEAKY = 0.2

_NC = 2
_NS = 16
_L = 16
_NW = _NC * _NS
_BPW = NSAMP // _NW
_NBUF = 3


def _leaky(x):
    return jnp.where(x > 0, x, LEAKY * x)


def _sc_gather_all(fu, uvf, fi, ivf, su, si, n_users, n_items):

    def body(fu_hbm, uvf_hbm, fi_hbm, ivf_hbm, su_hbm, si_hbm,
             fug, uvg, fig, ivg,
             isu0, isu1, isu2, isi0, isi1, isi2, iuv1, iuv2, iiv1, iiv2,
             rows0, rows1, rows2,
             isem, gsem0, gsem1, gsem2, ssem0, ssem1, ssem2):
        wid = lax.axis_index("s") * _NC + lax.axis_index("c")
        base = wid * _BPW
        rows = (rows0, rows1, rows2)
        gsems = (gsem0, gsem1, gsem2)
        ssems = (ssem0, ssem1, ssem2)
        isu = (isu0, isu1, isu2)
        isi = (isi0, isi1, isi2)

        loads = []
        for g in range(GRAPH_NUM):
            loads.append(pltpu.async_copy(
                su_hbm.at[pl.ds(g * NSAMP + base, _BPW)], isu[g], isem))
            loads.append(pltpu.async_copy(
                si_hbm.at[pl.ds(g * NSAMP + base, _BPW)], isi[g], isem))
        for c in loads:
            c.wait()

        for dst, srcv, off in ((iuv1, isu1, n_users), (iuv2, isu2, 2 * n_users),
                               (iiv1, isi1, n_items), (iiv2, isi2, 2 * n_items)):
            for k in range(_BPW // _L):
                sl = pl.ds(k * _L, _L)
                dst[sl] = srcv[sl] + off

        uv_idx = (isu0, iuv1, iuv2)
        iv_idx = (isi0, iiv1, iiv2)
        rounds = []
        for g in range(GRAPH_NUM):
            ob = g * NSAMP + base
            rounds.append((fu_hbm, isu[g], fug, ob))
            rounds.append((uvf_hbm, uv_idx[g], uvg, ob))
            rounds.append((fi_hbm, isi[g], fig, ob))
            rounds.append((ivf_hbm, iv_idx[g], ivg, ob))

        nr = len(rounds)
        gathers = [None] * nr
        scatters = [None] * nr

        def start_gather(r):
            tab, iref, _, _ = rounds[r]
            b = r % _NBUF
            gathers[r] = pltpu.async_copy(tab.at[iref], rows[b], gsems[b])

        def retire(r):
            _, _, out_ref, ob = rounds[r]
            b = r % _NBUF
            gathers[r].wait()
            scatters[r] = pltpu.async_copy(rows[b],
                                           out_ref.at[pl.ds(ob, _BPW)],
                                           ssems[b])

        for r in range(_NBUF):
            start_gather(r)
        for r in range(_NBUF, nr):
            retire(r - _NBUF)
            scatters[r - _NBUF].wait()
            start_gather(r)
        for r in range(nr - _NBUF, nr):
            retire(r)
        for r in range(nr - _NBUF, nr):
            scatters[r].wait()

    out = jax.ShapeDtypeStruct((GRAPH_NUM * NSAMP, D), jnp.float32)
    kern = pl.kernel(
        body,
        out_type=[out, out, out, out],
        mesh=plsc.VectorSubcoreMesh(core_axis_name="c", subcore_axis_name="s"),
        scratch_types=[
            pltpu.VMEM((_BPW,), jnp.int32),
            pltpu.VMEM((_BPW,), jnp.int32),
            pltpu.VMEM((_BPW,), jnp.int32),
            pltpu.VMEM((_BPW,), jnp.int32),
            pltpu.VMEM((_BPW,), jnp.int32),
            pltpu.VMEM((_BPW,), jnp.int32),
            pltpu.VMEM((_BPW,), jnp.int32),
            pltpu.VMEM((_BPW,), jnp.int32),
            pltpu.VMEM((_BPW,), jnp.int32),
            pltpu.VMEM((_BPW,), jnp.int32),
            pltpu.VMEM((_BPW, D), jnp.float32),
            pltpu.VMEM((_BPW, D), jnp.float32),
            pltpu.VMEM((_BPW, D), jnp.float32),
            pltpu.SemaphoreType.DMA,
            pltpu.SemaphoreType.DMA,
            pltpu.SemaphoreType.DMA,
            pltpu.SemaphoreType.DMA,
            pltpu.SemaphoreType.DMA,
            pltpu.SemaphoreType.DMA,
            pltpu.SemaphoreType.DMA,
        ],
    )
    return kern(fu, uvf, fi, ivf, su, si)


def _tc_body(fu_p, fu_n, uv_p, uv_n, fi_p, fi_n, iv_p, iv_n,
             w1, b1, w2, b2, out):
    @pl.when((pl.program_id(0) == 0) & (pl.program_id(1) == 0))
    def _():
        out[...] = jnp.zeros_like(out)

    W1 = w1[...]
    b1v = b1[...]
    w2v = w2[...]
    b2s = b2[0, 0]

    def weight(fu, uv):
        h = (jnp.dot(fu * uv, W1[:D], preferred_element_type=jnp.float32)
             + jnp.dot(fu, W1[D:2 * D], preferred_element_type=jnp.float32)
             + jnp.dot(uv, W1[2 * D:], preferred_element_type=jnp.float32)
             + b1v)
        h = _leaky(h)
        z = jnp.sum(h * w2v, axis=-1) + b2s
        return 1.0 / (1.0 + jnp.exp(-z))

    fu_pv, uv_pv = fu_p[...], uv_p[...]
    fu_nv, uv_nv = fu_n[...], uv_n[...]
    wpos = weight(fu_pv, uv_pv)
    wneg = weight(fu_nv, uv_nv)
    spos = jnp.sum(_leaky(fu_pv * fi_p[...]), axis=-1)
    sneg = jnp.sum(_leaky(fu_nv * fi_n[...]), axis=-1)
    ppos = jnp.sum(_leaky(uv_pv * iv_p[...]), axis=-1)
    pneg = jnp.sum(_leaky(uv_nv * iv_n[...]), axis=-1)
    s = wpos * spos - wneg * sneg
    l = jnp.sum(jnp.maximum(0.0, 1.0 - s * (ppos - pneg)))
    out[...] = out[...] + l


def _tc_loss(fug, uvg, fig, ivg, w1, b1r, w2r, b2r):
    BP = 4096
    nbj = HALF // BP
    nbg = NSAMP // BP

    rs_p = pl.BlockSpec((BP, D), lambda i, j: (i * nbg + j, 0))
    rs_n = pl.BlockSpec((BP, D), lambda i, j: (i * nbg + nbj + j, 0))

    def full(shape):
        return pl.BlockSpec(shape, lambda i, j: (0, 0))

    out = pl.pallas_call(
        _tc_body,
        grid=(GRAPH_NUM, nbj),
        in_specs=[rs_p, rs_n, rs_p, rs_n, rs_p, rs_n, rs_p, rs_n,
                  full((3 * D, D)), full((1, D)), full((1, D)), full((1, 1))],
        out_specs=pl.BlockSpec((1, 1), lambda i, j: (0, 0)),
        out_shape=jax.ShapeDtypeStruct((1, 1), jnp.float32),
    )(fug, fug, uvg, uvg, fig, fig, ivg, ivg, w1, b1r, w2r, b2r)
    return out[0, 0]


def kernel(final_user_vector, user_vector, final_item_vector, item_vector,
           suids0, suids1, suids2, siids0, siids1, siids2, W1, b1, W2, b2):
    n_users = final_user_vector.shape[0]
    n_items = final_item_vector.shape[0]
    su = jnp.concatenate([suids0, suids1, suids2]).astype(jnp.int32)
    si = jnp.concatenate([siids0, siids1, siids2]).astype(jnp.int32)
    uvf = user_vector.reshape(GRAPH_NUM * n_users, D)
    ivf = item_vector.reshape(GRAPH_NUM * n_items, D)
    fug, uvg, fig, ivg = _sc_gather_all(
        final_user_vector, uvf, final_item_vector, ivf, su, si,
        n_users, n_items)
    return _tc_loss(fug, uvg, fig, ivg, W1,
                    b1.reshape(1, D), W2.reshape(1, D), b2.reshape(1, 1))

# --- scband reference (transcript-rebuilt; emitter-appended) ---
"""Pipeline reference for scband-ssl-model-70884140253870 (READ-ONLY COPY).

The authoritative reference and input builder live on the scoring server;
editing this copy changes nothing except your own understanding.
"""

import jax, jax.numpy as jnp
import numpy as np

GRAPH_NUM = 3
N_USERS = 100000
N_ITEMS = 100000
D = 128
SSL_DIM = 128
N_SAMP2 = 8192
LEAKY = 0.2


def _leaky(x):
    return jnp.where(x > 0, x, LEAKY * x)


def setup_inputs(seed: int = 0) -> dict:
    key = jax.random.key(seed)
    ks = jax.random.split(key, 16)
    inp = {}
    inp['final_user_vector'] = jax.random.normal(ks[0], (N_USERS, D), dtype=jnp.float32)
    inp['user_vector'] = jax.random.normal(ks[1], (GRAPH_NUM, N_USERS, D), dtype=jnp.float32)
    inp['final_item_vector'] = jax.random.normal(ks[2], (N_ITEMS, D), dtype=jnp.float32)
    inp['item_vector'] = jax.random.normal(ks[3], (GRAPH_NUM, N_ITEMS, D), dtype=jnp.float32)
    for i in range(GRAPH_NUM):
        inp[f'suids{i}'] = jax.random.randint(ks[4 + i], (N_SAMP2,), 0, N_USERS, dtype=jnp.int64 if jax.config.jax_enable_x64 else jnp.int32)
        inp[f'siids{i}'] = jax.random.randint(ks[7 + i], (N_SAMP2,), 0, N_ITEMS, dtype=jnp.int64 if jax.config.jax_enable_x64 else jnp.int32)
    # learned params: fc1 (3*D -> SSL_DIM, leaky_relu), fc2 (SSL_DIM -> 1, sigmoid)
    inp['W1'] = jax.random.normal(ks[10], (3 * D, SSL_DIM), dtype=jnp.float32) * 0.05
    inp['b1'] = jnp.zeros((SSL_DIM,), dtype=jnp.float32)
    inp['W2'] = jax.random.normal(ks[11], (SSL_DIM, 1), dtype=jnp.float32) * 0.05
    inp['b2'] = jnp.zeros((1,), dtype=jnp.float32)
    return inp


def reference(final_user_vector, user_vector, final_item_vector, item_vector,
              suids0, suids1, suids2, siids0, siids1, siids2,
              W1, b1, W2, b2):
    suids = [suids0, suids1, suids2]
    siids = [siids0, siids1, siids2]
    user_weights = []
    for i in range(GRAPH_NUM):
        meta1 = jnp.concatenate([final_user_vector * user_vector[i], final_user_vector, user_vector[i]], axis=-1)
        meta2 = _leaky(meta1 @ W1 + b1)
        meta3 = jax.nn.sigmoid(meta2 @ W2 + b2)
        user_weights.append(jnp.squeeze(meta3, axis=-1))
    user_weight = jnp.stack(user_weights, axis=0)
    sslloss = jnp.float32(0.0)
    for i in range(GRAPH_NUM):
        sampNum = suids[i].shape[0] // 2
        pckUlat = jnp.take(final_user_vector, suids[i], axis=0)
        pckIlat = jnp.take(final_item_vector, siids[i], axis=0)
        pckUweight = jnp.take(user_weight[i], suids[i], axis=0)
        S_final = jnp.sum(_leaky(pckUlat * pckIlat), axis=-1)
        posPred_final = jax.lax.stop_gradient(S_final[:sampNum])
        negPred_final = jax.lax.stop_gradient(S_final[sampNum:])
        posweight_final = pckUweight[:sampNum]
        negweight_final = pckUweight[sampNum:]
        S_final = posweight_final * posPred_final - negweight_final * negPred_final
        pckUlat = jnp.take(user_vector[i], suids[i], axis=0)
        pckIlat = jnp.take(item_vector[i], siids[i], axis=0)
        preds_one = jnp.sum(_leaky(pckUlat * pckIlat), axis=-1)
        posPred = preds_one[:sampNum]
        negPred = preds_one[sampNum:]
        sslloss = sslloss + jnp.sum(jnp.maximum(0.0, 1.0 - S_final * (posPred - negPred)))
    return sslloss

if __name__ == "__main__":
    import jax
    _d = setup_inputs()
    print(jax.jit(kernel)(*tuple(_d.values())))

</pallas_src>

<mosaic_0001>
#map = affine_map<(d0, d1) -> (0, 0)>
#map1 = affine_map<(d0, d1) -> (0)>
module attributes {stable_mosaic.version = 14 : i64} {
  func.func @body(%arg0: i32, %arg1: i32, %arg2: memref<100000x128xf32, #tpu.memory_space<hbm>>, %arg3: memref<300000x128xf32, #tpu.memory_space<hbm>>, %arg4: memref<100000x128xf32, #tpu.memory_space<hbm>>, %arg5: memref<300000x128xf32, #tpu.memory_space<hbm>>, %arg6: memref<24576xi32, #tpu.memory_space<hbm>>, %arg7: memref<24576xi32, #tpu.memory_space<hbm>>, %arg8: memref<24576x128xf32, #tpu.memory_space<hbm>>, %arg9: memref<24576x128xf32, #tpu.memory_space<hbm>>, %arg10: memref<24576x128xf32, #tpu.memory_space<hbm>>, %arg11: memref<24576x128xf32, #tpu.memory_space<hbm>>, %arg12: memref<256xi32, #tpu.memory_space<vmem>>, %arg13: memref<256xi32, #tpu.memory_space<vmem>>, %arg14: memref<256xi32, #tpu.memory_space<vmem>>, %arg15: memref<256xi32, #tpu.memory_space<vmem>>, %arg16: memref<256xi32, #tpu.memory_space<vmem>>, %arg17: memref<256xi32, #tpu.memory_space<vmem>>, %arg18: memref<256xi32, #tpu.memory_space<vmem>>, %arg19: memref<256xi32, #tpu.memory_space<vmem>>, %arg20: memref<256xi32, #tpu.memory_space<vmem>>, %arg21: memref<256xi32, #tpu.memory_space<vmem>>, %arg22: memref<256x128xf32, #tpu.memory_space<vmem>>, %arg23: memref<256x128xf32, #tpu.memory_space<vmem>>, %arg24: memref<256x128xf32, #tpu.memory_space<vmem>>, %arg25: memref<!tpu.dma_semaphore, #tpu.memory_space<semaphore_mem>>, %arg26: memref<!tpu.dma_semaphore, #tpu.memory_space<semaphore_mem>>, %arg27: memref<!tpu.dma_semaphore, #tpu.memory_space<semaphore_mem>>, %arg28: memref<!tpu.dma_semaphore, #tpu.memory_space<semaphore_mem>>, %arg29: memref<!tpu.dma_semaphore, #tpu.memory_space<semaphore_mem>>, %arg30: memref<!tpu.dma_semaphore, #tpu.memory_space<semaphore_mem>>, %arg31: memref<!tpu.dma_semaphore, #tpu.memory_space<semaphore_mem>>) attributes {dimension_semantics = [#tpu.dimension_semantics<core_parallel>, #tpu.dimension_semantics<subcore_parallel>], iteration_bounds = array<i64: 2, 16>, scalar_prefetch = 0 : i64, scratch_operands = 20 : i64, tpu.core_type = #tpu.core_type<sc_vector_subcore>, window_params = [{transform_indices = #map}, {transform_indices = #map}, {transform_indices = #map}, {transform_indices = #map}, {transform_indices = #map1}, {transform_indices = #map1}, {transform_indices = #map}, {transform_indices = #map}, {transform_indices = #map}, {transform_indices = #map}]} {
    %mul3A = arith.constant 2 : i32
    %mul3A_0 = arith.muli %arg1, %mul3A : i32
    %add3A = arith.addi %mul3A_0, %arg0 : i32
    %mul3A_1 = arith.constant 256 : i32
    %mul3A_2 = arith.muli %add3A, %mul3A_1 : i32
    %add3A_3 = arith.constant 0 : i32
    %add3A_4 = arith.addi %add3A_3, %mul3A_2 : i32
    %dma_start3A = tpu.memref_slice %arg6[%add3A_4] : memref<24576xi32, #tpu.memory_space<hbm>> -> memref<256xi32, #tpu.memory_space<hbm>>
    %dma_start3A_5 = tpu.memref_slice %arg6[%add3A_4] : memref<24576xi32, #tpu.memory_space<hbm>> -> memref<256xi32, #tpu.memory_space<hbm>>
    tpu.enqueue_dma source(%dma_start3A_5 : memref<256xi32, #tpu.memory_space<hbm>>) target(%arg12 : memref<256xi32, #tpu.memory_space<vmem>>) target_semaphore(%arg25 : memref<!tpu.dma_semaphore, #tpu.memory_space<semaphore_mem>>)
    %add3A_6 = arith.constant 0 : i32
    %add3A_7 = arith.addi %add3A_6, %mul3A_2 : i32
    %dma_start3A_8 = tpu.memref_slice %arg7[%add3A_7] : memref<24576xi32, #tpu.memory_space<hbm>> -> memref<256xi32, #tpu.memory_space<hbm>>
    %dma_start3A_9 = tpu.memref_slice %arg7[%add3A_7] : memref<24576xi32, #tpu.memory_space<hbm>> -> memref<256xi32, #tpu.memory_space<hbm>>
    tpu.enqueue_dma source(%dma_start3A_9 : memref<256xi32, #tpu.memory_space<hbm>>) target(%arg15 : memref<256xi32, #tpu.memory_space<vmem>>) target_semaphore(%arg25 : memref<!tpu.dma_semaphore, #tpu.memory_space<semaphore_mem>>)
    %add3A_10 = arith.constant 8192 : i32
    %add3A_11 = arith.addi %add3A_10, %mul3A_2 : i32
    %dma_start3A_12 = tpu.memref_slice %arg6[%add3A_11] : memref<24576xi32, #tpu.memory_space<hbm>> -> memref<256xi32, #tpu.memory_space<hbm>>
    %dma_start3A_13 = tpu.memref_slice %arg6[%add3A_11] : memref<24576xi32, #tpu.memory_space<hbm>> -> memref<256xi32, #tpu.memory_space<hbm>>
    tpu.enqueue_dma source(%dma_start3A_13 : memref<256xi32, #tpu.memory_space<hbm>>) target(%arg13 : memref<256xi32, #tpu.memory_space<vmem>>) target_semaphore(%arg25 : memref<!tpu.dma_semaphore, #tpu.memory_space<semaphore_mem>>)
    %add3A_14 = arith.constant 8192 : i32
    %add3A_15 = arith.addi %add3A_14, %mul3A_2 : i32
    %dma_start3A_16 = tpu.memref_slice %arg7[%add3A_15] : memref<24576xi32, #tpu.memory_space<hbm>> -> memref<256xi32, #tpu.memory_space<hbm>>
    %dma_start3A_17 = tpu.memref_slice %arg7[%add3A_15] : memref<24576xi32, #tpu.memory_space<hbm>> -> memref<256xi32, #tpu.memory_space<hbm>>
    tpu.enqueue_dma source(%dma_start3A_17 : memref<256xi32, #tpu.memory_space<hbm>>) target(%arg16 : memref<256xi32, #tpu.memory_space<vmem>>) target_semaphore(%arg25 : memref<!tpu.dma_semaphore, #tpu.memory_space<semaphore_mem>>)
    %add3A_18 = arith.constant 16384 : i32
    %add3A_19 = arith.addi %add3A_18, %mul3A_2 : i32
    %dma_start3A_20 = tpu.memref_slice %arg6[%add3A_19] : memref<24576xi32, #tpu.memory_space<hbm>> -> memref<256xi32, #tpu.memory_space<hbm>>
    %dma_start3A_21 = tpu.memref_slice %arg6[%add3A_19] : memref<24576xi32, #tpu.memory_space<hbm>> -> memref<256xi32, #tpu.memory_space<hbm>>
    tpu.enqueue_dma source(%dma_start3A_21 : memref<256xi32, #tpu.memory_space<hbm>>) target(%arg14 : memref<256xi32, #tpu.memory_space<vmem>>) target_semaphore(%arg25 : memref<!tpu.dma_semaphore, #tpu.memory_space<semaphore_mem>>)
    %add3A_22 = arith.constant 16384 : i32
    %add3A_23 = arith.addi %add3A_22, %mul3A_2 : i32
    %dma_start3A_24 = tpu.memref_slice %arg7[%add3A_23] : memref<24576xi32, #tpu.memory_space<hbm>> -> memref<256xi32, #tpu.memory_space<hbm>>
    %dma_start3A_25 = tpu.memref_slice %arg7[%add3A_23] : memref<24576xi32, #tpu.memory_space<hbm>> -> memref<256xi32, #tpu.memory_space<hbm>>
    tpu.enqueue_dma source(%dma_start3A_25 : memref<256xi32, #tpu.memory_space<hbm>>) target(%arg17 : memref<256xi32, #tpu.memory_space<vmem>>) target_semaphore(%arg25 : memref<!tpu.dma_semaphore, #tpu.memory_space<semaphore_mem>>)
    %dma_wait3A = tpu.memref_slice %arg6[%add3A_4] : memref<24576xi32, #tpu.memory_space<hbm>> -> memref<256xi32, #tpu.memory_space<hbm>>
    %dma_wait3A_26 = tpu.memref_slice %arg6[%add3A_4] : memref<24576xi32, #tpu.memory_space<hbm>> -> memref<256xi32, #tpu.memory_space<hbm>>
    tpu.wait_dma2 semaphore(%arg25 : memref<!tpu.dma_semaphore, #tpu.memory_space<semaphore_mem>>) src(%dma_wait3A_26 : memref<256xi32, #tpu.memory_space<hbm>>) dst(%arg12 : memref<256xi32, #tpu.memory_space<vmem>>)
    %dma_wait3A_27 = tpu.memref_slice %arg7[%add3A_7] : memref<24576xi32, #tpu.memory_space<hbm>> -> memref<256xi32, #tpu.memory_space<hbm>>
    %dma_wait3A_28 = tpu.memref_slice %arg7[%add3A_7] : memref<24576xi32, #tpu.memory_space<hbm>> -> memref<256xi32, #tpu.memory_space<hbm>>
    tpu.wait_dma2 semaphore(%arg25 : memref<!tpu.dma_semaphore, #tpu.memory_space<semaphore_mem>>) src(%dma_wait3A_28 : memref<256xi32, #tpu.memory_space<hbm>>) dst(%arg15 : memref<256xi32, #tpu.memory_space<vmem>>)
    %dma_wait3A_29 = tpu.memref_slice %arg6[%add3A_11] : memref<24576xi32, #tpu.memory_space<hbm>> -> memref<256xi32, #tpu.memory_space<hbm>>
    %dma_wait3A_30 = tpu.memref_slice %arg6[%add3A_11] : memref<24576xi32, #tpu.memory_space<hbm>> -> memref<256xi32, #tpu.memory_space<hbm>>
    tpu.wait_dma2 semaphore(%arg25 : memref<!tpu.dma_semaphore, #tpu.memory_space<semaphore_mem>>) src(%dma_wait3A_30 : memref<256xi32, #tpu.memory_space<hbm>>) dst(%arg13 : memref<256xi32, #tpu.memory_space<vmem>>)
    %dma_wait3A_31 = tpu.memref_slice %arg7[%add3A_15] : memref<24576xi32, #tpu.memory_space<hbm>> -> memref<256xi32, #tpu.memory_space<hbm>>
    %dma_wait3A_32 = tpu.memref_slice %arg7[%add3A_15] : memref<24576xi32, #tpu.memory_space<hbm>> -> memref<256xi32, #tpu.memory_space<hbm>>
    tpu.wait_dma2 semaphore(%arg25 : memref<!tpu.dma_semaphore, #tpu.memory_space<semaphore_mem>>) src(%dma_wait3A_32 : memref<256xi32, #tpu.memory_space<hbm>>) dst(%arg16 : memref<256xi32, #tpu.memory_space<vmem>>)
    %dma_wait3A_33 = tpu.memref_slice %arg6[%add3A_19] : memref<24576xi32, #tpu.memory_space<hbm>> -> memref<256xi32, #tpu.memory_space<hbm>>
    %dma_wait3A_34 = tpu.memref_slice %arg6[%add3A_19] : memref<24576xi32, #tpu.memory_space<hbm>> -> memref<256xi32, #tpu.memory_space<hbm>>
    tpu.wait_dma2 semaphore(%arg25 : memref<!tpu.dma_semaphore, #tpu.memory_space<semaphore_mem>>) src(%dma_wait3A_34 : memref<256xi32, #tpu.memory_space<hbm>>) dst(%arg14 : memref<256xi32, #tpu.memory_space<vmem>>)
    %dma_wait3A_35 = tpu.memref_slice %arg7[%add3A_23] : memref<24576xi32, #tpu.memory_space<hbm>> -> memref<256xi32, #tpu.memory_space<hbm>>
    %dma_wait3A_36 = tpu.memref_slice %arg7[%add3A_23] : memref<24576xi32, #tpu.memory_space<hbm>> -> memref<256xi32, #tpu.memory_space<hbm>>
    tpu.wait_dma2 semaphore(%arg25 : memref<!tpu.dma_semaphore, #tpu.memory_space<semaphore_mem>>) src(%dma_wait3A_36 : memref<256xi32, #tpu.memory_space<hbm>>) dst(%arg17 : memref<256xi32, #tpu.memory_space<vmem>>)
    %get3A = arith.constant 0 : index
    %get3A_37 = tpu.vector_load %arg13[%get3A] {strides = array<i32>} : memref<256xi32, #tpu.memory_space<vmem>>, vector<16xi32>,
    %get3A_38 = vector.shape_cast %get3A_37 : vector<16xi32> to vector<16xi32>
    %add3A_39 = arith.constant 100000 : i32
    %add3A_40 = vector.broadcast %add3A_39 : i32 to vector<16xi32>
    %add3A_41 = arith.addi %get3A_38, %add3A_40 : vector<16xi32>
    %swap3A = arith.constant 0 : index
    %swap3A_42 = tpu.vector_load %arg18[%swap3A] {strides = array<i32>} : memref<256xi32, #tpu.memory_space<vmem>>, vector<16xi32>,
    %swap3A_43 = vector.shape_cast %swap3A_42 : vector<16xi32> to vector<16xi32>
    %swap3A_44 = vector.shape_cast %add3A_41 : vector<16xi32> to vector<16xi32>
    tpu.vector_store %arg18[%swap3A], %swap3A_44 {strides = array<i32>} : memref<256xi32, #tpu.memory_space<vmem>>, vector<16xi32>,
    %get3A_45 = arith.constant 16 : index
    %get3A_46 = tpu.vector_load %arg13[%get3A_45] {strides = array<i32>} : memref<256xi32, #tpu.memory_space<vmem>>, vector<16xi32>,
    %get3A_47 = vector.shape_cast %get3A_46 : vector<16xi32> to vector<16xi32>
    %add3A_48 = arith.constant 100000 : i32
    %add3A_49 = vector.broadcast %add3A_48 : i32 to vector<16xi32>
    %add3A_50 = arith.addi %get3A_47, %add3A_49 : vector<16xi32>
    %swap3A_51 = arith.constant 16 : index
    %swap3A_52 = tpu.vector_load %arg18[%swap3A_51] {strides = array<i32>} : memref<256xi32, #tpu.memory_space<vmem>>, vector<16xi32>,
    %swap3A_53 = vector.shape_cast %swap3A_52 : vector<16xi32> to vector<16xi32>
    %swap3A_54 = vector.shape_cast %add3A_50 : vector<16xi32> to vector<16xi32>
    tpu.vector_store %arg18[%swap3A_51], %swap3A_54 {strides = array<i32>} : memref<256xi32, #tpu.memory_space<vmem>>, vector<16xi32>,
    %get3A_55 = arith.constant 32 : index
    %get3A_56 = tpu.vector_load %arg13[%get3A_55] {strides = array<i32>} : memref<256xi32, #tpu.memory_space<vmem>>, vector<16xi32>,
    %get3A_57 = vector.shape_cast %get3A_56 : vector<16xi32> to vector<16xi32>
    %add3A_58 = arith.constant 100000 : i32
    %add3A_59 = vector.broadcast %add3A_58 : i32 to vector<16xi32>
    %add3A_60 = arith.addi %get3A_57, %add3A_59 : vector<16xi32>
    %swap3A_61 = arith.constant 32 : index
    %swap3A_62 = tpu.vector_load %arg18[%swap3A_61] {strides = array<i32>} : memref<256xi32, #tpu.memory_space<vmem>>, vector<16xi32>,
    %swap3A_63 = vector.shape_cast %swap3A_62 : vector<16xi32> to vector<16xi32>
    %swap3A_64 = vector.shape_cast %add3A_60 : vector<16xi32> to vector<16xi32>
    tpu.vector_store %arg18[%swap3A_61], %swap3A_64 {strides = array<i32>} : memref<256xi32, #tpu.memory_space<vmem>>, vector<16xi32>,
    %get3A_65 = arith.constant 48 : index
    %get3A_66 = tpu.vector_load %arg13[%get3A_65] {strides = array<i32>} : memref<256xi32, #tpu.memory_space<vmem>>, vector<16xi32>,
    %get3A_67 = vector.shape_cast %get3A_66 : vector<16xi32> to vector<16xi32>
    %add3A_68 = arith.constant 100000 : i32
    %add3A_69 = vector.broadcast %add3A_68 : i32 to vector<16xi32>
    %add3A_70 = arith.addi %get3A_67, %add3A_69 : vector<16xi32>
    %swap3A_71 = arith.constant 48 : index
    %swap3A_72 = tpu.vector_load %arg18[%swap3A_71] {strides = array<i32>} : memref<256xi32, #tpu.memory_space<vmem>>, vector<16xi32>,
    %swap3A_73 = vector.shape_cast %swap3A_72 : vector<16xi32> to vector<16xi32>
    %swap3A_74 = vector.shape_cast %add3A_70 : vector<16xi32> to vector<16xi32>
    tpu.vector_store %arg18[%swap3A_71], %swap3A_74 {strides = array<i32>} : memref<256xi32, #tpu.memory_space<vmem>>, vector<16xi32>,
    %get3A_75 = arith.constant 64 : index
    %get3A_76 = tpu.vector_load %arg13[%get3A_75] {strides = array<i32>} : memref<256xi32, #tpu.memory_space<vmem>>, vector<16xi32>,
    %get3A_77 = vector.shape_cast %get3A_76 : vector<16xi32> to vector<16xi32>
    %add3A_78 = arith.constant 100000 : i32
    %add3A_79 = vector.broadcast %add3A_78 : i32 to vector<16xi32>
    %add3A_80 = arith.addi %get3A_77, %add3A_79 : vector<16xi32>
    %swap3A_81 = arith.constant 64 : index
    %swap3A_82 = tpu.vector_load %arg18[%swap3A_81] {strides = array<i32>} : memref<256xi32, #tpu.memory_space<vmem>>, vector<16xi32>,
    %swap3A_83 = vector.shape_cast %swap3A_82 : vector<16xi32> to vector<16xi32>
    %swap3A_84 = vector.shape_cast %add3A_80 : vector<16xi32> to vector<16xi32>
    tpu.vector_store %arg18[%swap3A_81], %swap3A_84 {strides = array<i32>} : memref<256xi32, #tpu.memory_space<vmem>>, vector<16xi32>,
    %get3A_85 = arith.constant 80 : index
    %get3A_86 = tpu.vector_load %arg13[%get3A_85] {strides = array<i32>} : memref<256xi32, #tpu.memory_space<vmem>>, vector<16xi32>,
    %get3A_87 = vector.shape_cast %get3A_86 : vector<16xi32> to vector<16xi32>
    %add3A_88 = arith.constant 100000 : i32
    %add3A_89 = vector.broadcast %add3A_88 : i32 to vector<16xi32>
    %add3A_90 = arith.addi %get3A_87, %add3A_89 : vector<16xi32>
    %swap3A_91 = arith.constant 80 : index
    %swap3A_92 = tpu.vector_load %arg18[%swap3A_91] {strides = array<i32>} : memref<256xi32, #tpu.memory_space<vmem>>, vector<16xi32>,
    %swap3A_93 = vector.shape_cast %swap3A_92 : vector<16xi32> to vector<16xi32>
    %swap3A_94 = vector.shape_cast %add3A_90 : vector<16xi32> to vector<16xi32>
    tpu.vector_store %arg18[%swap3A_91], %swap3A_94 {strides = array<i32>} : memref<256xi32, #tpu.memory_space<vmem>>, vector<16xi32>,
    %get3A_95 = arith.constant 96 : index
    %get3A_96 = tpu.vector_load %arg13[%get3A_95] {strides = array<i32>} : memref<256xi32, #tpu.memory_space<vmem>>, vector<16xi32>,
    %get3A_97 = vector.shape_cast %get3A_96 : vector<16xi32> to vector<16xi32>
    %add3A_98 = arith.constant 100000 : i32
    %add3A_99 = vector.broadcast %add3A_98 : i32 to vector<16xi32>
    %add3A_100 = arith.addi %get3A_97, %add3A_99 : vector<16xi32>
    %swap3A_101 = arith.constant 96 : index
    %swap3A_102 = tpu.vector_load %arg18[%swap3A_101] {strides = array<i32>} : memref<256xi32, #tpu.memory_space<vmem>>, vector<16xi32>,
    %swap3A_103 = vector.shape_cast %swap3A_102 : vector<16xi32> to vector<16xi32>
    %swap3A_104 = vector.shape_cast %add3A_100 : vector<16xi32> to vector<16xi32>
    tpu.vector_store %arg18[%swap3A_101], %swap3A_104 {strides = array<i32>} : memref<256xi32, #tpu.memory_space<vmem>>, vector<16xi32>,
    %get3A_105 = arith.constant 112 : index
    %get3A_106 = tpu.vector_load %arg13[%get3A_105] {strides = array<i32>} : memref<256xi32, #tpu.memory_space<vmem>>, vector<16xi32>,
    %get3A_107 = vector.shape_cast %get3A_106 : vector<16xi32> to vector<16xi32>
    %add3A_108 = arith.constant 100000 : i32
    %add3A_109 = vector.broadcast %add3A_108 : i32 to vector<16xi32>
    %add3A_110 = arith.addi %get3A_107, %add3A_109 : vector<16xi32>
    %swap3A_111 = arith.constant 112 : index
    %swap3A_112 = tpu.vector_load %arg18[%swap3A_111] {strides = array<i32>} : memref<256xi32, #tpu.memory_space<vmem>>, vector<16xi32>,
    %swap3A_113 = vector.shape_cast %swap3A_112 : vector<16xi32> to vector<16xi32>
    %swap3A_114 = vector.shape_cast %add3A_110 : vector<16xi32> to vector<16xi32>
    tpu.vector_store %arg18[%swap3A_111], %swap3A_114 {strides = array<i32>} : memref<256xi32, #tpu.memory_space<vmem>>, vector<16xi32>,
    %get3A_115 = arith.constant 128 : index
    %get3A_116 = tpu.vector_load %arg13[%get3A_115] {strides = array<i32>} : memref<256xi32, #tpu.memory_space<vmem>>, vector<16xi32>,
    %get3A_117 = vector.shape_cast %get3A_116 : vector<16xi32> to vector<16xi32>
    %add3A_118 = arith.constant 100000 : i32
    %add3A_119 = vector.broadcast %add3A_118 : i32 to vector<16xi32>
    %add3A_120 = arith.addi %get3A_117, %add3A_119 : vector<16xi32>
    %swap3A_121 = arith.constant 128 : index
    %swap3A_122 = tpu.vector_load %arg18[%swap3A_121] {strides = array<i32>} : memref<256xi32, #tpu.memory_space<vmem>>, vector<16xi32>,
    %swap3A_123 = vector.shape_cast %swap3A_122 : vector<16xi32> to vector<16xi32>
    %swap3A_124 = vector.shape_cast %add3A_120 : vector<16xi32> to vector<16xi32>
    tpu.vector_store %arg18[%swap3A_121], %swap3A_124 {strides = array<i32>} : memref<256xi32, #tpu.memory_space<vmem>>, vector<16xi32>,
    %get3A_125 = arith.constant 144 : index
    %get3A_126 = tpu.vector_load %arg13[%get3A_125] {strides = array<i32>} : memref<256xi32, #tpu.memory_space<vmem>>, vector<16xi32>,
    %get3A_127 = vector.shape_cast %get3A_126 : vector<16xi32> to vector<16xi32>
    %add3A_128 = arith.constant 100000 : i32
    %add3A_129 = vector.broadcast %add3A_128 : i32 to vector<16xi32>
    %add3A_130 = arith.addi %get3A_127, %add3A_129 : vector<16xi32>
    %swap3A_131 = arith.constant 144 : index
    %swap3A_132 = tpu.vector_load %arg18[%swap3A_131] {strides = array<i32>} : memref<256xi32, #tpu.memory_space<vmem>>, vector<16xi32>,
    %swap3A_133 = vector.shape_cast %swap3A_132 : vector<16xi32> to vector<16xi32>
    %swap3A_134 = vector.shape_cast %add3A_130 : vector<16xi32> to vector<16xi32>
    tpu.vector_store %arg18[%swap3A_131], %swap3A_134 {strides = array<i32>} : memref<256xi32, #tpu.memory_space<vmem>>, vector<16xi32>,
    %get3A_135 = arith.constant 160 : index
    %get3A_136 = tpu.vector_load %arg13[%get3A_135] {strides = array<i32>} : memref<256xi32, #tpu.memory_space<vmem>>, vector<16xi32>,
    %get3A_137 = vector.shape_cast %get3A_136 : vector<16xi32> to vector<16xi32>
    %add3A_138 = arith.constant 100000 : i32
    %add3A_139 = vector.broadcast %add3A_138 : i32 to vector<16xi32>
    %add3A_140 = arith.addi %get3A_137, %add3A_139 : vector<16xi32>
    %swap3A_141 = arith.constant 160 : index
    %swap3A_142 = tpu.vector_load %arg18[%swap3A_141] {strides = array<i32>} : memref<256xi32, #tpu.memory_space<vmem>>, vector<16xi32>,
    %swap3A_143 = vector.shape_cast %swap3A_142 : vector<16xi32> to vector<16xi32>
    %swap3A_144 = vector.shape_cast %add3A_140 : vector<16xi32> to vector<16xi32>
    tpu.vector_store %arg18[%swap3A_141], %swap3A_144 {strides = array<i32>} : memref<256xi32, #tpu.memory_space<vmem>>, vector<16xi32>,
    %get3A_145 = arith.constant 176 : index
    %get3A_146 = tpu.vector_load %arg13[%get3A_145] {strides = array<i32>} : memref<256xi32, #tpu.memory_space<vmem>>, vector<16xi32>,
    %get3A_147 = vector.shape_cast %get3A_146 : vector<16xi32> to vector<16xi32>
    %add3A_148 = arith.constant 100000 : i32
    %add3A_149 = vector.broadcast %add3A_148 : i32 to vector<16xi32>
    %add3A_150 = arith.addi %get3A_147, %add3A_149 : vector<16xi32>
    %swap3A_151 = arith.constant 176 : index
    %swap3A_152 = tpu.vector_load %arg18[%swap3A_151] {strides = array<i32>} : memref<256xi32, #tpu.memory_space<vmem>>, vector<16xi32>,
    %swap3A_153 = vector.shape_cast %swap3A_152 : vector<16xi32> to vector<16xi32>
    %swap3A_154 = vector.shape_cast %add3A_150 : vector<16xi32> to vector<16xi32>
    tpu.vector_store %arg18[%swap3A_151], %swap3A_154 {strides = array<i32>} : memref<256xi32, #tpu.memory_space<vmem>>, vector<16xi32>,
    %get3A_155 = arith.constant 192 : index
    %get3A_156 = tpu.vector_load %arg13[%get3A_155] {strides = array<i32>} : memref<256xi32, #tpu.memory_space<vmem>>, vector<16xi32>,
    %get3A_157 = vector.shape_cast %get3A_156 : vector<16xi32> to vector<16xi32>
    %add3A_158 = arith.constant 100000 : i32
    %add3A_159 = vector.broadcast %add3A_158 : i32 to vector<16xi32>
    %add3A_160 = arith.addi %get3A_157, %add3A_159 : vector<16xi32>
    %swap3A_161 = arith.constant 192 : index
    %swap3A_162 = tpu.vector_load %arg18[%swap3A_161] {strides = array<i32>} : memref<256xi32, #tpu.memory_space<vmem>>, vector<16xi32>,
    %swap3A_163 = vector.shape_cast %swap3A_162 : vector<16xi32> to vector<16xi32>
    %swap3A_164 = vector.shape_cast %add3A_160 : vector<16xi32> to vector<16xi32>
    tpu.vector_store %arg18[%swap3A_161], %swap3A_164 {strides = array<i32>} : memref<256xi32, #tpu.memory_space<vmem>>, vector<16xi32>,
    %get3A_165 = arith.constant 208 : index
    %get3A_166 = tpu.vector_load %arg13[%get3A_165] {strides = array<i32>} : memref<256xi32, #tpu.memory_space<vmem>>, vector<16xi32>,
    %get3A_167 = vector.shape_cast %get3A_166 : vector<16xi32> to vector<16xi32>
    %add3A_168 = arith.constant 100000 : i32
    %add3A_169 = vector.broadcast %add3A_168 : i32 to vector<16xi32>
    %add3A_170 = arith.addi %get3A_167, %add3A_169 : vector<16xi32>
    %swap3A_171 = arith.constant 208 : index
    %swap3A_172 = tpu.vector_load %arg18[%swap3A_171] {strides = array<i32>} : memref<256xi32, #tpu.memory_space<vmem>>, vector<16xi32>,
    %swap3A_173 = vector.shape_cast %swap3A_172 : vector<16xi32> to vector<16xi32>
    %swap3A_174 = vector.shape_cast %add3A_170 : vector<16xi32> to vector<16xi32>
    tpu.vector_store %arg18[%swap3A_171], %swap3A_174 {strides = array<i32>} : memref<256xi32, #tpu.memory_space<vmem>>, vector<16xi32>,
    %get3A_175 = arith.constant 224 : index
    %get3A_176 = tpu.vector_load %arg13[%get3A_175] {strides = array<i32>} : memref<256xi32, #tpu.memory_space<vmem>>, vector<16xi32>,
    %get3A_177 = vector.shape_cast %get3A_176 : vector<16xi32> to vector<16xi32>
    %add3A_178 = arith.constant 100000 : i32
    %add3A_179 = vector.broadcast %add3A_178 : i32 to vector<16xi32>
    %add3A_180 = arith.addi %get3A_177, %add3A_179 : vector<16xi32>
    %swap3A_181 = arith.constant 224 : index
    %swap3A_182 = tpu.vector_load %arg18[%swap3A_181] {strides = array<i32>} : memref<256xi32, #tpu.memory_space<vmem>>, vector<16xi32>,
    %swap3A_183 = vector.shape_cast %swap3A_182 : vector<16xi32> to vector<16xi32>
    %swap3A_184 = vector.shape_cast %add3A_180 : vector<16xi32> to vector<16xi32>
    tpu.vector_store %arg18[%swap3A_181], %swap3A_184 {strides = array<i32>} : memref<256xi32, #tpu.memory_space<vmem>>, vector<16xi32>,
    %get3A_185 = arith.constant 240 : index
    %get3A_186 = tpu.vector_load %arg13[%get3A_185] {strides = array<i32>} : memref<256xi32, #tpu.memory_space<vmem>>, vector<16xi32>,
    %get3A_187 = vector.shape_cast %get3A_186 : vector<16xi32> to vector<16xi32>
    %add3A_188 = arith.constant 100000 : i32
    %add3A_189 = vector.broadcast %add3A_188 : i32 to vector<16xi32>
    %add3A_190 = arith.addi %get3A_187, %add3A_189 : vector<16xi32>
    %swap3A_191 = arith.constant 240 : index
    %swap3A_192 = tpu.vector_load %arg18[%swap3A_191] {strides = array<i32>} : memref<256xi32, #tpu.memory_space<vmem>>, vector<16xi32>,
    %swap3A_193 = vector.shape_cast %swap3A_192 : vector<16xi32> to vector<16xi32>
    %swap3A_194 = vector.shape_cast %add3A_190 : vector<16xi32> to vector<16xi32>
    tpu.vector_store %arg18[%swap3A_191], %swap3A_194 {strides = array<i32>} : memref<256xi32, #tpu.memory_space<vmem>>, vector<16xi32>,
    %get3A_195 = arith.constant 0 : index
    %get3A_196 = tpu.vector_load %arg14[%get3A_195] {strides = array<i32>} : memref<256xi32, #tpu.memory_space<vmem>>, vector<16xi32>,
    %get3A_197 = vector.shape_cast %get3A_196 : vector<16xi32> to vector<16xi32>
    %add3A_198 = arith.constant 200000 : i32
    %add3A_199 = vector.broadcast %add3A_198 : i32 to vector<16xi32>
    %add3A_200 = arith.addi %get3A_197, %add3A_199 : vector<16xi32>
    %swap3A_201 = arith.constant 0 : index
    %swap3A_202 = tpu.vector_load %arg19[%swap3A_201] {strides = array<i32>} : memref<256xi32, #tpu.memory_space<vmem>>, vector<16xi32>,
    %swap3A_203 = vector.shape_cast %swap3A_202 : vector<16xi32> to vector<16xi32>
    %swap3A_204 = vector.shape_cast %add3A_200 : vector<16xi32> to vector<16xi32>
    tpu.vector_store %arg19[%swap3A_201], %swap3A_204 {strides = array<i32>} : memref<256xi32, #tpu.memory_space<vmem>>, vector<16xi32>,
    %get3A_205 = arith.constant 16 : index
    %get3A_206 = tpu.vector_load %arg14[%get3A_205] {strides = array<i32>} : memref<256xi32, #tpu.memory_space<vmem>>, vector<16xi32>,
    %get3A_207 = vector.shape_cast %get3A_206 : vector<16xi32> to vector<16xi32>
    %add3A_208 = arith.constant 200000 : i32
    %add3A_209 = vector.broadcast %add3A_208 : i32 to vector<16xi32>
    %add3A_210 = arith.addi %get3A_207, %add3A_209 : vector<16xi32>
    %swap3A_211 = arith.constant 16 : index
    %swap3A_212 = tpu.vector_load %arg19[%swap3A_211] {strides = array<i32>} : memref<256xi32, #tpu.memory_space<vmem>>, vector<16xi32>,
    %swap3A_213 = vector.shape_cast %swap3A_212 : vector<16xi32> to vector<16xi32>
    %swap3A_214 = vector.shape_cast %add3A_210 : vector<16xi32> to vector<16xi32>
    tpu.vector_store %arg19[%swap3A_211], %swap3A_214 {strides = array<i32>} : memref<256xi32, #tpu.memory_space<vmem>>, vector<16xi32>,
    %get3A_215 = arith.constant 32 : index
    %get3A_216 = tpu.vector_load %arg14[%get3A_215] {strides = array<i32>} : memref<256xi32, #tpu.memory_space<vmem>>, vector<16xi32>,
    %get3A_217 = vector.shape_cast %get3A_216 : vector<16xi32> to vector<16xi32>
    %add3A_218 = arith.constant 200000 : i32
    %add3A_219 = vector.broadcast %add3A_218 : i32 to vector<16xi32>
    %add3A_220 = arith.addi %get3A_217, %add3A_219 : vector<16xi32>
    %swap3A_221 = arith.constant 32 : index
    %swap3A_222 = tpu.vector_load %arg19[%swap3A_221] {strides = array<i32>} : memref<256xi32, #tpu.memory_space<vmem>>, vector<16xi32>,
    %swap3A_223 = vector.shape_cast %swap3A_222 : vector<16xi32> to vector<16xi32>
    %swap3A_224 = vector.shape_cast %add3A_220 : vector<16xi32> to vector<16xi32>
    tpu.vector_store %arg19[%swap3A_221], %swap3A_224 {strides = array<i32>} : memref<256xi32, #tpu.memory_space<vmem>>, vector<16xi32>,
    %get3A_225 = arith.constant 48 : index
    %get3A_226 = tpu.vector_load %arg14[%get3A_225] {strides = array<i32>} : memref<256xi32, #tpu.memory_space<vmem>>, vector<16xi32>,
    %get3A_227 = vector.shape_cast %get3A_226 : vector<16xi32> to vector<16xi32>
    %add3A_228 = arith.constant 200000 : i32
    %add3A_229 = vector.broadcast %add3A_228 : i32 to vector<16xi32>
    %add3A_230 = arith.addi %get3A_227, %add3A_229 : vector<16xi32>
    %swap3A_231 = arith.constant 48 : index
    %swap3A_232 = tpu.vector_load %arg19[%swap3A_231] {strides = array<i32>} : memref<256xi32, #tpu.memory_space<vmem>>, vector<16xi32>,
    %swap3A_233 = vector.shape_cast %swap3A_232 : vector<16xi32> to vector<16xi32>
    %swap3A_234 = vector.shape_cast %add3A_230 : vector<16xi32> to vector<16xi32>
    tpu.vector_store %arg19[%swap3A_231], %swap3A_234 {strides = array<i32>} : memref<256xi32, #tpu.memory_space<vmem>>, vector<16xi32>,
    %get3A_235 = arith.constant 64 : index
    %get3A_236 = tpu.vector_load %arg14[%get3A_235] {strides = array<i32>} : memref<256xi32, #tpu.memory_space<vmem>>, vector<16xi32>,
    %get3A_237 = vector.shape_cast %get3A_236 : vector<16xi32> to vector<16xi32>
    %add3A_238 = arith.constant 200000 : i32
    %add3A_239 = vector.broadcast %add3A_238 : i32 to vector<16xi32>
    %add3A_240 = arith.addi %get3A_237, %add3A_239 : vector<16xi32>
    %swap3A_241 = arith.constant 64 : index
    %swap3A_242 = tpu.vector_load %arg19[%swap3A_241] {strides = array<i32>} : memref<256xi32, #tpu.memory_space<vmem>>, vector<16xi32>,
    %swap3A_243 = vector.shape_cast %swap3A_242 : vector<16xi32> to vector<16xi32>
    %swap3A_244 = vector.shape_cast %add3A_240 : vector<16xi32> to vector<16xi32>
    tpu.vector_store %arg19[%swap3A_241], %swap3A_244 {strides = array<i32>} : memref<256xi32, #tpu.memory_space<vmem>>, vector<16xi32>,
    %get3A_245 = arith.constant 80 : index
    %get3A_246 = tpu.vector_load %arg14[%get3A_245] {strides = array<i32>} : memref<256xi32, #tpu.memory_space<vmem>>, vector<16xi32>,
    %get3A_247 = vector.shape_cast %get3A_246 : vector<16xi32> to vector<16xi32>
    %add3A_248 = arith.constant 200000 : i32
    %add3A_249 = vector.broadcast %add3A_248 : i32 to vector<16xi32>
    %add3A_250 = arith.addi %get3A_247, %add3A_249 : vector<16xi32>
    %swap3A_251 = arith.constant 80 : index
    %swap3A_252 = tpu.vector_load %arg19[%swap3A_251] {strides = array<i32>} : memref<256xi32, #tpu.memory_space<vmem>>, vector<16xi32>,
    %swap3A_253 = vector.shape_cast %swap3A_252 : vector<16xi32> to vector<16xi32>
    %swap3A_254 = vector.shape_cast %add3A_250 : vector<16xi32> to vector<16xi32>
    tpu.vector_store %arg19[%swap3A_251], %swap3A_254 {strides = array<i32>} : memref<256xi32, #tpu.memory_space<vmem>>, vector<16xi32>,
    %get3A_255 = arith.constant 96 : index
    %get3A_256 = tpu.vector_load %arg14[%get3A_255] {strides = array<i32>} : memref<256xi32, #tpu.memory_space<vmem>>, vector<16xi32>,
    %get3A_257 = vector.shape_cast %get3A_256 : vector<16xi32> to vector<16xi32>
    %add3A_258 = arith.constant 200000 : i32
    %add3A_259 = vector.broadcast %add3A_258 : i32 to vector<16xi32>
    %add3A_260 = arith.addi %get3A_257, %add3A_259 : vector<16xi32>
    %swap3A_261 = arith.constant 96 : index
    %swap3A_262 = tpu.vector_load %arg19[%swap3A_261] {strides = array<i32>} : memref<256xi32, #tpu.memory_space<vmem>>, vector<16xi32>,
    %swap3A_263 = vector.shape_cast %swap3A_262 : vector<16xi32> to vector<16xi32>
    %swap3A_264 = vector.shape_cast %add3A_260 : vector<16xi32> to vector<16xi32>
    tpu.vector_store %arg19[%swap3A_261], %swap3A_264 {strides = array<i32>} : memref<256xi32, #tpu.memory_space<vmem>>, vector<16xi32>,
    %get3A_265 = arith.constant 112 : index
    %get3A_266 = tpu.vector_load %arg14[%get3A_265] {strides = array<i32>} : memref<256xi32, #tpu.memory_space<vmem>>, vector<16xi32>,
    %get3A_267 = vector.shape_cast %get3A_266 : vector<16xi32> to vector<16xi32>
    %add3A_268 = arith.constant 200000 : i32
    %add3A_269 = vector.broadcast %add3A_268 : i32 to vector<16xi32>
    %add3A_270 = arith.addi %get3A_267, %add3A_269 : vector<16xi32>
    %swap3A_271 = arith.constant 112 : index
    %swap3A_272 = tpu.vector_load %arg19[%swap3A_271] {strides = array<i32>} : memref<256xi32, #tpu.memory_space<vmem>>, vector<16xi32>,
    %swap3A_273 = vector.shape_cast %swap3A_272 : vector<16xi32> to vector<16xi32>
    %swap3A_274 = vector.shape_cast %add3A_270 : vector<16xi32> to vector<16xi32>
    tpu.vector_store %arg19[%swap3A_271], %swap3A_274 {strides = array<i32>} : memref<256xi32, #tpu.memory_space<vmem>>, vector<16xi32>,
    %get3A_275 = arith.constant 128 : index
    %get3A_276 = tpu.vector_load %arg14[%get3A_275] {strides = array<i32>} : memref<256xi32, #tpu.memory_space<vmem>>, vector<16xi32>,
    %get3A_277 = vector.shape_cast %get3A_276 : vector<16xi32> to vector<16xi32>
    %add3A_278 = arith.constant 200000 : i32
    %add3A_279 = vector.broadcast %add3A_278 : i32 to vector<16xi32>
    %add3A_280 = arith.addi %get3A_277, %add3A_279 : vector<16xi32>
    %swap3A_281 = arith.constant 128 : index
    %swap3A_282 = tpu.vector_load %arg19[%swap3A_281] {strides = array<i32>} : memref<256xi32, #tpu.memory_space<vmem>>, vector<16xi32>,
    %swap3A_283 = vector.shape_cast %swap3A_282 : vector<16xi32> to vector<16xi32>
    %swap3A_284 = vector.shape_cast %add3A_280 : vector<16xi32> to vector<16xi32>
    tpu.vector_store %arg19[%swap3A_281], %swap3A_284 {strides = array<i32>} : memref<256xi32, #tpu.memory_space<vmem>>, vector<16xi32>,
    %get3A_285 = arith.constant 144 : index
    %get3A_286 = tpu.vector_load %arg14[%get3A_285] {strides = array<i32>} : memref<256xi32, #tpu.memory_space<vmem>>, vector<16xi32>,
    %get3A_287 = vector.shape_cast %get3A_286 : vector<16xi32> to vector<16xi32>
    %add3A_288 = arith.constant 200000 : i32
    %add3A_289 = vector.broadcast %add3A_288 : i32 to vector<16xi32>
    %add3A_290 = arith.addi %get3A_287, %add3A_289 : vector<16xi32>
    %swap3A_291 = arith.constant 144 : index
    %swap3A_292 = tpu.vector_load %arg19[%swap3A_291] {strides = array<i32>} : memref<256xi32, #tpu.memory_space<vmem>>, vector<16xi32>,
    %swap3A_293 = vector.shape_cast %swap3A_292 : vector<16xi32> to vector<16xi32>
    %swap3A_294 = vector.shape_cast %add3A_290 : vector<16xi32> to vector<16xi32>
    tpu.vector_store %arg19[%swap3A_291], %swap3A_294 {strides = array<i32>} : memref<256xi32, #tpu.memory_space<vmem>>, vector<16xi32>,
    %get3A_295 = arith.constant 160 : index
    %get3A_296 = tpu.vector_load %arg14[%get3A_295] {strides = array<i32>} : memref<256xi32, #tpu.memory_space<vmem>>, vector<16xi32>,
    %get3A_297 = vector.shape_cast %get3A_296 : vector<16xi32> to vector<16xi32>
    %add3A_298 = arith.constant 200000 : i32
    %add3A_299 = vector.broadcast %add3A_298 : i32 to vector<16xi32>
    %add3A_300 = arith.addi %get3A_297, %add3A_299 : vector<16xi32>
    %swap3A_301 = arith.constant 160 : index
    %swap3A_302 = tpu.vector_load %arg19[%swap3A_301] {strides = array<i32>} : memref<256xi32, #tpu.memory_space<vmem>>, vector<16xi32>,
    %swap3A_303 = vector.shape_cast %swap3A_302 : vector<16xi32> to vector<16xi32>
    %swap3A_304 = vector.shape_cast %add3A_300 : vector<16xi32> to vector<16xi32>
    tpu.vector_store %arg19[%swap3A_301], %swap3A_304 {strides = array<i32>} : memref<256xi32, #tpu.memory_space<vmem>>, vector<16xi32>,
    %get3A_305 = arith.constant 176 : index
    %get3A_306 = tpu.vector_load %arg14[%get3A_305] {strides = array<i32>} : memref<256xi32, #tpu.memory_space<vmem>>, vector<16xi32>,
    %get3A_307 = vector.shape_cast %get3A_306 : vector<16xi32> to vector<16xi32>
    %add3A_308 = arith.constant 200000 : i32
    %add3A_309 = vector.broadcast %add3A_308 : i32 to vector<16xi32>
    %add3A_310 = arith.addi %get3A_307, %add3A_309 : vector<16xi32>
    %swap3A_311 = arith.constant 176 : index
    %swap3A_312 = tpu.vector_load %arg19[%swap3A_311] {strides = array<i32>} : memref<256xi32, #tpu.memory_space<vmem>>, vector<16xi32>,
    %swap3A_313 = vector.shape_cast %swap3A_312 : vector<16xi32> to vector<16xi32>
    %swap3A_314 = vector.shape_cast %add3A_310 : vector<16xi32> to vector<16xi32>
    tpu.vector_store %arg19[%swap3A_311], %swap3A_314 {strides = array<i32>} : memref<256xi32, #tpu.memory_space<vmem>>, vector<16xi32>,
    %get3A_315 = arith.constant 192 : index
    %get3A_316 = tpu.vector_load %arg14[%get3A_315] {strides = array<i32>} : memref<256xi32, #tpu.memory_space<vmem>>, vector<16xi32>,
    %get3A_317 = vector.shape_cast %get3A_316 : vector<16xi32> to vector<16xi32>
    %add3A_318 = arith.constant 200000 : i32
    %add3A_319 = vector.broadcast %add3A_318 : i32 to vector<16xi32>
    %add3A_320 = arith.addi %get3A_317, %add3A_319 : vector<16xi32>
    %swap3A_321 = arith.constant 192 : index
    %swap3A_322 = tpu.vector_load %arg19[%swap3A_321] {strides = array<i32>} : memref<256xi32, #tpu.memory_space<vmem>>, vector<16xi32>,
    %swap3A_323 = vector.shape_cast %swap3A_322 : vector<16xi32> to vector<16xi32>
    %swap3A_324 = vector.shape_cast %add3A_320 : vector<16xi32> to vector<16xi32>
    tpu.vector_store %arg19[%swap3A_321], %swap3A_324 {strides = array<i32>} : memref<256xi32, #tpu.memory_space<vmem>>, vector<16xi32>,
    %get3A_325 = arith.constant 208 : index
    %get3A_326 = tpu.vector_load %arg14[%get3A_325] {strides = array<i32>} : memref<256xi32, #tpu.memory_space<vmem>>, vector<16xi32>,
    %get3A_327 = vector.shape_cast %get3A_326 : vector<16xi32> to vector<16xi32>
    %add3A_328 = arith.constant 200000 : i32
    %add3A_329 = vector.broadcast %add3A_328 : i32 to vector<16xi32>
    %add3A_330 = arith.addi %get3A_327, %add3A_329 : vector<16xi32>
    %swap3A_331 = arith.constant 208 : index
    %swap3A_332 = tpu.vector_load %arg19[%swap3A_331] {strides = array<i32>} : memref<256xi32, #tpu.memory_space<vmem>>, vector<16xi32>,
    %swap3A_333 = vector.shape_cast %swap3A_332 : vector<16xi32> to vector<16xi32>
    %swap3A_334 = vector.shape_cast %add3A_330 : vector<16xi32> to vector<16xi32>
    tpu.vector_store %arg19[%swap3A_331], %swap3A_334 {strides = array<i32>} : memref<256xi32, #tpu.memory_space<vmem>>, vector<16xi32>,
    %get3A_335 = arith.constant 224 : index
    %get3A_336 = tpu.vector_load %arg14[%get3A_335] {strides = array<i32>} : memref<256xi32, #tpu.memory_space<vmem>>, vector<16xi32>,
    %get3A_337 = vector.shape_cast %get3A_336 : vector<16xi32> to vector<16xi32>
    %add3A_338 = arith.constant 200000 : i32
    %add3A_339 = vector.broadcast %add3A_338 : i32 to vector<16xi32>
    %add3A_340 = arith.addi %get3A_337, %add3A_339 : vector<16xi32>
    %swap3A_341 = arith.constant 224 : index
    %swap3A_342 = tpu.vector_load %arg19[%swap3A_341] {strides = array<i32>} : memref<256xi32, #tpu.memory_space<vmem>>, vector<16xi32>,
    %swap3A_343 = vector.shape_cast %swap3A_342 : vector<16xi32> to vector<16xi32>
    %swap3A_344 = vector.shape_cast %add3A_340 : vector<16xi32> to vector<16xi32>
    tpu.vector_store %arg19[%swap3A_341], %swap3A_344 {strides = array<i32>} : memref<256xi32, #tpu.memory_space<vmem>>, vector<16xi32>,
    %get3A_345 = arith.constant 240 : index
    %get3A_346 = tpu.vector_load %arg14[%get3A_345] {strides = array<i32>} : memref<256xi32, #tpu.memory_space<vmem>>, vector<16xi32>,
    %get3A_347 = vector.shape_cast %get3A_346 : vector<16xi32> to vector<16xi32>
    %add3A_348 = arith.constant 200000 : i32
    %add3A_349 = vector.broadcast %add3A_348 : i32 to vector<16xi32>
    %add3A_350 = arith.addi %get3A_347, %add3A_349 : vector<16xi32>
    %swap3A_351 = arith.constant 240 : index
    %swap3A_352 = tpu.vector_load %arg19[%swap3A_351] {strides = array<i32>} : memref<256xi32, #tpu.memory_space<vmem>>, vector<16xi32>,
    %swap3A_353 = vector.shape_cast %swap3A_352 : vector<16xi32> to vector<16xi32>
    %swap3A_354 = vector.shape_cast %add3A_350 : vector<16xi32> to vector<16xi32>
    tpu.vector_store %arg19[%swap3A_351], %swap3A_354 {strides = array<i32>} : memref<256xi32, #tpu.memory_space<vmem>>, vector<16xi32>,
    %get3A_355 = arith.constant 0 : index
    %get3A_356 = tpu.vector_load %arg16[%get3A_355] {strides = array<i32>} : memref<256xi32, #tpu.memory_space<vmem>>, vector<16xi32>,
    %get3A_357 = vector.shape_cast %get3A_356 : vector<16xi32> to vector<16xi32>
    %add3A_358 = arith.constant 100000 : i32
    %add3A_359 = vector.broadcast %add3A_358 : i32 to vector<16xi32>
    %add3A_360 = arith.addi %get3A_357, %add3A_359 : vector<16xi32>
    %swap3A_361 = arith.constant 0 : index
    %swap3A_362 = tpu.vector_load %arg20[%swap3A_361] {strides = array<i32>} : memref<256xi32, #tpu.memory_space<vmem>>, vector<16xi32>,
    %swap3A_363 = vector.shape_cast %swap3A_362 : vector<16xi32> to vector<16xi32>
    %swap3A_364 = vector.shape_cast %add3A_360 : vector<16xi32> to vector<16xi32>
    tpu.vector_store %arg20[%swap3A_361], %swap3A_364 {strides = array<i32>} : memref<256xi32, #tpu.memory_space<vmem>>, vector<16xi32>,
    %get3A_365 = arith.constant 16 : index
    %get3A_366 = tpu.vector_load %arg16[%get3A_365] {strides = array<i32>} : memref<256xi32, #tpu.memory_space<vmem>>, vector<16xi32>,
    %get3A_367 = vector.shape_cast %get3A_366 : vector<16xi32> to vector<16xi32>
    %add3A_368 = arith.constant 100000 : i32
    %add3A_369 = vector.broadcast %add3A_368 : i32 to vector<16xi32>
    %add3A_370 = arith.addi %get3A_367, %add3A_369 : vector<16xi32>
    %swap3A_371 = arith.constant 16 : index
    %swap3A_372 = tpu.vector_load %arg20[%swap3A_371] {strides = array<i32>} : memref<256xi32, #tpu.memory_space<vmem>>, vector<16xi32>,
    %swap3A_373 = vector.shape_cast %swap3A_372 : vector<16xi32> to vector<16xi32>
    %swap3A_374 = vector.shape_cast %add3A_370 : vector<16xi32> to vector<16xi32>
    tpu.vector_store %arg20[%swap3A_371], %swap3A_374 {strides = array<i32>} : memref<256xi32, #tpu.memory_space<vmem>>, vector<16xi32>,
    %get3A_375 = arith.constant 32 : index
    %get3A_376 = tpu.vector_load %arg16[%get3A_375] {strides = array<i32>} : memref<256xi32, #tpu.memory_space<vmem>>, vector<16xi32>,
    %get3A_377 = vector.shape_cast %get3A_376 : vector<16xi32> to vector<16xi32>
    %add3A_378 = arith.constant 100000 : i32
    %add3A_379 = vector.broadcast %add3A_378 : i32 to vector<16xi32>
    %add3A_380 = arith.addi %get3A_377, %add3A_379 : vector<16xi32>
    %swap3A_381 = arith.constant 32 : index
    %swap3A_382 = tpu.vector_load %arg20[%swap3A_381] {strides = array<i32>} : memref<256xi32, #tpu.memory_space<vmem>>, vector<16xi32>,
    %swap3A_383 = vector.shape_cast %swap3A_382 : vector<16xi32> to vector<16xi32>
    %swap3A_384 = vector.shape_cast %add3A_380 : vector<16xi32> to vector<16xi32>
    tpu.vector_store %arg20[%swap3A_381], %swap3A_384 {strides = array<i32>} : memref<256xi32, #tpu.memory_space<vmem>>, vector<16xi32>,
    %get3A_385 = arith.constant 48 : index
    %get3A_386 = tpu.vector_load %arg16[%get3A_385] {strides = array<i32>} : memref<256xi32, #tpu.memory_space<vmem>>, vector<16xi32>,
    %get3A_387 = vector.shape_cast %get3A_386 : vector<16xi32> to vector<16xi32>
    %add3A_388 = arith.constant 100000 : i32
    %add3A_389 = vector.broadcast %add3A_388 : i32 to vector<16xi32>
    %add3A_390 = arith.addi %get3A_387, %add3A_389 : vector<16xi32>
    %swap3A_391 = arith.constant 48 : index
    %swap3A_392 = tpu.vector_load %arg20[%swap3A_391] {strides = array<i32>} : memref<256xi32, #tpu.memory_space<vmem>>, vector<16xi32>,
    %swap3A_393 = vector.shape_cast %swap3A_392 : vector<16xi32> to vector<16xi32>
    %swap3A_394 = vector.shape_cast %add3A_390 : vector<16xi32> to vector<16xi32>
    tpu.vector_store %arg20[%swap3A_391], %swap3A_394 {strides = array<i32>} : memref<256xi32, #tpu.memory_space<vmem>>, vector<16xi32>,
    %get3A_395 = arith.constant 64 : index
    %get3A_396 = tpu.vector_load %arg16[%get3A_395] {strides = array<i32>} : memref<256xi32, #tpu.memory_space<vmem>>, vector<16xi32>,
    %get3A_397 = vector.shape_cast %get3A_396 : vector<16xi32> to vector<16xi32>
    %add3A_398 = arith.constant 100000 : i32
    %add3A_399 = vector.broadcast %add3A_398 : i32 to vector<16xi32>
    %add3A_400 = arith.addi %get3A_397, %add3A_399 : vector<16xi32>
    %swap3A_401 = arith.constant 64 : index
    %swap3A_402 = tpu.vector_load %arg20[%swap3A_401] {strides = array<i32>} : memref<256xi32, #tpu.memory_space<vmem>>, vector<16xi32>,
    %swap3A_403 = vector.shape_cast %swap3A_402 : vector<16xi32> to vector<16xi32>
    %swap3A_404 = vector.shape_cast %add3A_400 : vector<16xi32> to vector<16xi32>
    tpu.vector_store %arg20[%swap3A_401], %swap3A_404 {strides = array<i32>} : memref<256xi32, #tpu.memory_space<vmem>>, vector<16xi32>,
    %get3A_405 = arith.constant 80 : index
    %get3A_406 = tpu.vector_load %arg16[%get3A_405] {strides = array<i32>} : memref<256xi32, #tpu.memory_space<vmem>>, vector<16xi32>,
    %get3A_407 = vector.shape_cast %get3A_406 : vector<16xi32> to vector<16xi32>
    %add3A_408 = arith.constant 100000 : i32
    %add3A_409 = vector.broadcast %add3A_408 : i32 to vector<16xi32>
    %add3A_410 = arith.addi %get3A_407, %add3A_409 : vector<16xi32>
    %swap3A_411 = arith.constant 80 : index
    %swap3A_412 = tpu.vector_load %arg20[%swap3A_411] {strides = array<i32>} : memref<256xi32, #tpu.memory_space<vmem>>, vector<16xi32>,
    %swap3A_413 = vector.shape_cast %swap3A_412 : vector<16xi32> to vector<16xi32>
    %swap3A_414 = vector.shape_cast %add3A_410 : vector<16xi32> to vector<16xi32>
    tpu.vector_store %arg20[%swap3A_411], %swap3A_414 {strides = array<i32>} : memref<256xi32, #tpu.memory_space<vmem>>, vector<16xi32>,
    %get3A_415 = arith.constant 96 : index
    %get3A_416 = tpu.vector_load %arg16[%get3A_415] {strides = array<i32>} : memref<256xi32, #tpu.memory_space<vmem>>, vector<16xi32>,
    %get3A_417 = vector.shape_cast %get3A_416 : vector<16xi32> to vector<16xi32>
    %add3A_418 = arith.constant 100000 : i32
    %add3A_419 = vector.broadcast %add3A_418 : i32 to vector<16xi32>
    %add3A_420 = arith.addi %get3A_417, %add3A_419 : vector<16xi32>
    %swap3A_421 = arith.constant 96 : index
    %swap3A_422 = tpu.vector_load %arg20[%swap3A_421] {strides = array<i32>} : memref<256xi32, #tpu.memory_space<vmem>>, vector<16xi32>,
    %swap3A_423 = vector.shape_cast %swap3A_422 : vector<16xi32> to vector<16xi32>
    %swap3A_424 = vector.shape_cast %add3A_420 : vector<16xi32> to vector<16xi32>
    tpu.vector_store %arg20[%swap3A_421], %swap3A_424 {strides = array<i32>} : memref<256xi32, #tpu.memory_space<vmem>>, vector<16xi32>,
    %get3A_425 = arith.constant 112 : index
    %get3A_426 = tpu.vector_load %arg16[%get3A_425] {strides = array<i32>} : memref<256xi32, #tpu.memory_space<vmem>>, vector<16xi32>,
    %get3A_427 = vector.shape_cast %get3A_426 : vector<16xi32> to vector<16xi32>
    %add3A_428 = arith.constant 100000 : i32
    %add3A_429 = vector.broadcast %add3A_428 : i32 to vector<16xi32>
    %add3A_430 = arith.addi %get3A_427, %add3A_429 : vector<16xi32>
    %swap3A_431 = arith.constant 112 : index
    %swap3A_432 = tpu.vector_load %arg20[%swap3A_431] {strides = array<i32>} : memref<256xi32, #tpu.memory_space<vmem>>, vector<16xi32>,
    %swap3A_433 = vector.shape_cast %swap3A_432 : vector<16xi32> to vector<16xi32>
    %swap3A_434 = vector.shape_cast %add3A_430 : vector<16xi32> to vector<16xi32>
    tpu.vector_store %arg20[%swap3A_431], %swap3A_434 {strides = array<i32>} : memref<256xi32, #tpu.memory_space<vmem>>, vector<16xi32>,
    %get3A_435 = arith.constant 128 : index
    %get3A_436 = tpu.vector_load %arg16[%get3A_435] {strides = array<i32>} : memref<256xi32, #tpu.memory_space<vmem>>, vector<16xi32>,
    %get3A_437 = vector.shape_cast %get3A_436 : vector<16xi32> to vector<16xi32>
    %add3A_438 = arith.constant 100000 : i32
    %add3A_439 = vector.broadcast %add3A_438 : i32 to vector<16xi32>
    %add3A_440 = arith.addi %get3A_437, %add3A_439 : vector<16xi32>
    %swap3A_441 = arith.constant 128 : index
    %swap3A_442 = tpu.vector_load %arg20[%swap3A_441] {strides = array<i32>} : memref<256xi32, #tpu.memory_space<vmem>>, vector<16xi32>,
    %swap3A_443 = vector.shape_cast %swap3A_442 : vector<16xi32> to vector<16xi32>
    %swap3A_444 = vector.shape_cast %add3A_440 : vector<16xi32> to vector<16xi32>
    tpu.vector_store %arg20[%swap3A_441], %swap3A_444 {strides = array<i32>} : memref<256xi32, #tpu.memory_space<vmem>>, vector<16xi32>,
    %get3A_445 = arith.constant 144 : index
    %get3A_446 = tpu.vector_load %arg16[%get3A_445] {strides = array<i32>} : memref<256xi32, #tpu.memory_space<vmem>>, vector<16xi32>,
    %get3A_447 = vector.shape_cast %get3A_446 : vector<16xi32> to vector<16xi32>
    %add3A_448 = arith.constant 100000 : i32
    %add3A_449 = vector.broadcast %add3A_448 : i32 to vector<16xi32>
    %add3A_450 = arith.addi %get3A_447, %add3A_449 : vector<16xi32>
    %swap3A_451 = arith.constant 144 : index
    %swap3A_452 = tpu.vector_load %arg20[%swap3A_451] {strides = array<i32>} : memref<256xi32, #tpu.memory_space<vmem>>, vector<16xi32>,
    %swap3A_453 = vector.shape_cast %swap3A_452 : vector<16xi32> to vector<16xi32>
    %swap3A_454 = vector.shape_cast %add3A_450 : vector<16xi32> to vector<16xi32>
    tpu.vector_store %arg20[%swap3A_451], %swap3A_454 {strides = array<i32>} : memref<256xi32, #tpu.memory_space<vmem>>, vector<16xi32>,
    %get3A_455 = arith.constant 160 : index
    %get3A_456 = tpu.vector_load %arg16[%get3A_455] {strides = array<i32>} : memref<256xi32, #tpu.memory_space<vmem>>, vector<16xi32>,
    %get3A_457 = vector.shape_cast %get3A_456 : vector<16xi32> to vector<16xi32>
    %add3A_458 = arith.constant 100000 : i32
    %add3A_459 = vector.broadcast %add3A_458 : i32 to vector<16xi32>
    %add3A_460 = arith.addi %get3A_457, %add3A_459 : vector<16xi32>
    %swap3A_461 = arith.constant 160 : index
    %swap3A_462 = tpu.vector_load %arg20[%swap3A_461] {strides = array<i32>} : memref<256xi32, #tpu.memory_space<vmem>>, vector<16xi32>,
    %swap3A_463 = vector.shape_cast %swap3A_462 : vector<16xi32> to vector<16xi32>
    %swap3A_464 = vector.shape_cast %add3A_460 : vector<16xi32> to vector<16xi32>
    tpu.vector_store %arg20[%swap3A_461], %swap3A_464 {strides = array<i32>} : memref<256xi32, #tpu.memory_space<vmem>>, vector<16xi32>,
    %get3A_465 = arith.constant 176 : index
    %get3A_466 = tpu.vector_load %arg16[%get3A_465] {strides = array<i32>} : memref<256xi32, #tpu.memory_space<vmem>>, vector<16xi32>,
    %get3A_467 = vector.shape_cast %get3A_466 : vector<16xi32> to vector<16xi32>
    %add3A_468 = arith.constant 100000 : i32
    %add3A_469 = vector.broadcast %add3A_468 : i32 to vector<16xi32>
    %add3A_470 = arith.addi %get3A_467, %add3A_469 : vector<16xi32>
    %swap3A_471 = arith.constant 176 : index
    %swap3A_472 = tpu.vector_load %arg20[%swap3A_471] {strides = array<i32>} : memref<256xi32, #tpu.memory_space<vmem>>, vector<16xi32>,
    %swap3A_473 = vector.shape_cast %swap3A_472 : vector<16xi32> to vector<16xi32>
    %swap3A_474 = vector.shape_cast %add3A_470 : vector<16xi32> to vector<16xi32>
    tpu.vector_store %arg20[%swap3A_471], %swap3A_474 {strides = array<i32>} : memref<256xi32, #tpu.memory_space<vmem>>, vector<16xi32>,
    %get3A_475 = arith.constant 192 : index
    %get3A_476 = tpu.vector_load %arg16[%get3A_475] {strides = array<i32>} : memref<256xi32, #tpu.memory_space<vmem>>, vector<16xi32>,
    %get3A_477 = vector.shape_cast %get3A_476 : vector<16xi32> to vector<16xi32>
    %add3A_478 = arith.constant 100000 : i32
    %add3A_479 = vector.broadcast %add3A_478 : i32 to vector<16xi32>
    %add3A_480 = arith.addi %get3A_477, %add3A_479 : vector<16xi32>
    %swap3A_481 = arith.constant 192 : index
    %swap3A_482 = tpu.vector_load %arg20[%swap3A_481] {strides = array<i32>} : memref<256xi32, #tpu.memory_space<vmem>>, vector<16xi32>,
    %swap3A_483 = vector.shape_cast %swap3A_482 : vector<16xi32> to vector<16xi32>
    %swap3A_484 = vector.shape_cast %add3A_480 : vector<16xi32> to vector<16xi32>
    tpu.vector_store %arg20[%swap3A_481], %swap3A_484 {strides = array<i32>} : memref<256xi32, #tpu.memory_space<vmem>>, vector<16xi32>,
    %get3A_485 = arith.constant 208 : index
    %get3A_486 = tpu.vector_load %arg16[%get3A_485] {strides = array<i32>} : memref<256xi32, #tpu.memory_space<vmem>>, vector<16xi32>,
    %get3A_487 = vector.shape_cast %get3A_486 : vector<16xi32> to vector<16xi32>
    %add3A_488 = arith.constant 100000 : i32
    %add3A_489 = vector.broadcast %add3A_488 : i32 to vector<16xi32>
    %add3A_490 = arith.addi %get3A_487, %add3A_489 : vector<16xi32>
    %swap3A_491 = arith.constant 208 : index
    %swap3A_492 = tpu.vector_load %arg20[%swap3A_491] {strides = array<i32>} : memref<256xi32, #tpu.memory_space<vmem>>, vector<16xi32>,
    %swap3A_493 = vector.shape_cast %swap3A_492 : vector<16xi32> to vector<16xi32>
    %swap3A_494 = vector.shape_cast %add3A_490 : vector<16xi32> to vector<16xi32>
    tpu.vector_store %arg20[%swap3A_491], %swap3A_494 {strides = array<i32>} : memref<256xi32, #tpu.memory_space<vmem>>, vector<16xi32>,
    %get3A_495 = arith.constant 224 : index
    %get3A_496 = tpu.vector_load %arg16[%get3A_495] {strides = array<i32>} : memref<256xi32, #tpu.memory_space<vmem>>, vector<16xi32>,
    %get3A_497 = vector.shape_cast %get3A_496 : vector<16xi32> to vector<16xi32>
    %add3A_498 = arith.constant 100000 : i32
    %add3A_499 = vector.broadcast %add3A_498 : i32 to vector<16xi32>
    %add3A_500 = arith.addi %get3A_497, %add3A_499 : vector<16xi32>
    %swap3A_501 = arith.constant 224 : index
    %swap3A_502 = tpu.vector_load %arg20[%swap3A_501] {strides = array<i32>} : memref<256xi32, #tpu.memory_space<vmem>>, vector<16xi32>,
    %swap3A_503 = vector.shape_cast %swap3A_502 : vector<16xi32> to vector<16xi32>
    %swap3A_504 = vector.shape_cast %add3A_500 : vector<16xi32> to vector<16xi32>
    tpu.vector_store %arg20[%swap3A_501], %swap3A_504 {strides = array<i32>} : memref<256xi32, #tpu.memory_space<vmem>>, vector<16xi32>,
    %get3A_505 = arith.constant 240 : index
    %get3A_506 = tpu.vector_load %arg16[%get3A_505] {strides = array<i32>} : memref<256xi32, #tpu.memory_space<vmem>>, vector<16xi32>,
    %get3A_507 = vector.shape_cast %get3A_506 : vector<16xi32> to vector<16xi32>
    %add3A_508 = arith.constant 100000 : i32
    %add3A_509 = vector.broadcast %add3A_508 : i32 to vector<16xi32>
    %add3A_510 = arith.addi %get3A_507, %add3A_509 : vector<16xi32>
    %swap3A_511 = arith.constant 240 : index
    %swap3A_512 = tpu.vector_load %arg20[%swap3A_511] {strides = array<i32>} : memref<256xi32, #tpu.memory_space<vmem>>, vector<16xi32>,
    %swap3A_513 = vector.shape_cast %swap3A_512 : vector<16xi32> to vector<16xi32>
    %swap3A_514 = vector.shape_cast %add3A_510 : vector<16xi32> to vector<16xi32>
    tpu.vector_store %arg20[%swap3A_511], %swap3A_514 {strides = array<i32>} : memref<256xi32, #tpu.memory_space<vmem>>, vector<16xi32>,
    %get3A_515 = arith.constant 0 : index
    %get3A_516 = tpu.vector_load %arg17[%get3A_515] {strides = array<i32>} : memref<256xi32, #tpu.memory_space<vmem>>, vector<16xi32>,
    %get3A_517 = vector.shape_cast %get3A_516 : vector<16xi32> to vector<16xi32>
    %add3A_518 = arith.constant 200000 : i32
    %add3A_519 = vector.broadcast %add3A_518 : i32 to vector<16xi32>
    %add3A_520 = arith.addi %get3A_517, %add3A_519 : vector<16xi32>
    %swap3A_521 = arith.constant 0 : index
    %swap3A_522 = tpu.vector_load %arg21[%swap3A_521] {strides = array<i32>} : memref<256xi32, #tpu.memory_space<vmem>>, vector<16xi32>,
    %swap3A_523 = vector.shape_cast %swap3A_522 : vector<16xi32> to vector<16xi32>
    %swap3A_524 = vector.shape_cast %add3A_520 : vector<16xi32> to vector<16xi32>
    tpu.vector_store %arg21[%swap3A_521], %swap3A_524 {strides = array<i32>} : memref<256xi32, #tpu.memory_space<vmem>>, vector<16xi32>,
    %get3A_525 = arith.constant 16 : index
    %get3A_526 = tpu.vector_load %arg17[%get3A_525] {strides = array<i32>} : memref<256xi32, #tpu.memory_space<vmem>>, vector<16xi32>,
    %get3A_527 = vector.shape_cast %get3A_526 : vector<16xi32> to vector<16xi32>
    %add3A_528 = arith.constant 200000 : i32
    %add3A_529 = vector.broadcast %add3A_528 : i32 to vector<16xi32>
    %add3A_530 = arith.addi %get3A_527, %add3A_529 : vector<16xi32>
    %swap3A_531 = arith.constant 16 : index
    %swap3A_532 = tpu.vector_load %arg21[%swap3A_531] {strides = array<i32>} : memref<256xi32, #tpu.memory_space<vmem>>, vector<16xi32>,
    %swap3A_533 = vector.shape_cast %swap3A_532 : vector<16xi32> to vector<16xi32>
    %swap3A_534 = vector.shape_cast %add3A_530 : vector<16xi32> to vector<16xi32>
    tpu.vector_store %arg21[%swap3A_531], %swap3A_534 {strides = array<i32>} : memref<256xi32, #tpu.memory_space<vmem>>, vector<16xi32>,
    %get3A_535 = arith.constant 32 : index
    %get3A_536 = tpu.vector_load %arg17[%get3A_535] {strides = array<i32>} : memref<256xi32, #tpu.memory_space<vmem>>, vector<16xi32>,
    %get3A_537 = vector.shape_cast %get3A_536 : vector<16xi32> to vector<16xi32>
    %add3A_538 = arith.constant 200000 : i32
    %add3A_539 = vector.broadcast %add3A_538 : i32 to vector<16xi32>
    %add3A_540 = arith.addi %get3A_537, %add3A_539 : vector<16xi32>
    %swap3A_541 = arith.constant 32 : index
    %swap3A_542 = tpu.vector_load %arg21[%swap3A_541] {strides = array<i32>} : memref<256xi32, #tpu.memory_space<vmem>>, vector<16xi32>,
    %swap3A_543 = vector.shape_cast %swap3A_542 : vector<16xi32> to vector<16xi32>
    %swap3A_544 = vector.shape_cast %add3A_540 : vector<16xi32> to vector<16xi32>
    tpu.vector_store %arg21[%swap3A_541], %swap3A_544 {strides = array<i32>} : memref<256xi32, #tpu.memory_space<vmem>>, vector<16xi32>,
    %get3A_545 = arith.constant 48 : index
    %get3A_546 = tpu.vector_load %arg17[%get3A_545] {strides = array<i32>} : memref<256xi32, #tpu.memory_space<vmem>>, vector<16xi32>,
    %get3A_547 = vector.shape_cast %get3A_546 : vector<16xi32> to vector<16xi32>
    %add3A_548 = arith.constant 200000 : i32
    %add3A_549 = vector.broadcast %add3A_548 : i32 to vector<16xi32>
    %add3A_550 = arith.addi %get3A_547, %add3A_549 : vector<16xi32>
    %swap3A_551 = arith.constant 48 : index
    %swap3A_552 = tpu.vector_load %arg21[%swap3A_551] {strides = array<i32>} : memref<256xi32, #tpu.memory_space<vmem>>, vector<16xi32>,
    %swap3A_553 = vector.shape_cast %swap3A_552 : vector<16xi32> to vector<16xi32>
    %swap3A_554 = vector.shape_cast %add3A_550 : vector<16xi32> to vector<16xi32>
    tpu.vector_store %arg21[%swap3A_551], %swap3A_554 {strides = array<i32>} : memref<256xi32, #tpu.memory_space<vmem>>, vector<16xi32>,
    %get3A_555 = arith.constant 64 : index
    %get3A_556 = tpu.vector_load %arg17[%get3A_555] {strides = array<i32>} : memref<256xi32, #tpu.memory_space<vmem>>, vector<16xi32>,
    %get3A_557 = vector.shape_cast %get3A_556 : vector<16xi32> to vector<16xi32>
    %add3A_558 = arith.constant 200000 : i32
    %add3A_559 = vector.broadcast %add3A_558 : i32 to vector<16xi32>
    %add3A_560 = arith.addi %get3A_557, %add3A_559 : vector<16xi32>
    %swap3A_561 = arith.constant 64 : index
    %swap3A_562 = tpu.vector_load %arg21[%swap3A_561] {strides = array<i32>} : memref<256xi32, #tpu.memory_space<vmem>>, vector<16xi32>,
    %swap3A_563 = vector.shape_cast %swap3A_562 : vector<16xi32> to vector<16xi32>
    %swap3A_564 = vector.shape_cast %add3A_560 : vector<16xi32> to vector<16xi32>
    tpu.vector_store %arg21[%swap3A_561], %swap3A_564 {strides = array<i32>} : memref<256xi32, #tpu.memory_space<vmem>>, vector<16xi32>,
    %get3A_565 = arith.constant 80 : index
    %get3A_566 = tpu.vector_load %arg17[%get3A_565] {strides = array<i32>} : memref<256xi32, #tpu.memory_space<vmem>>, vector<16xi32>,
    %get3A_567 = vector.shape_cast %get3A_566 : vector<16xi32> to vector<16xi32>
    %add3A_568 = arith.constant 200000 : i32
    %add3A_569 = vector.broadcast %add3A_568 : i32 to vector<16xi32>
    %add3A_570 = arith.addi %get3A_567, %add3A_569 : vector<16xi32>
    %swap3A_571 = arith.constant 80 : index
    %swap3A_572 = tpu.vector_load %arg21[%swap3A_571] {strides = array<i32>} : memref<256xi32, #tpu.memory_space<vmem>>, vector<16xi32>,
    %swap3A_573 = vector.shape_cast %swap3A_572 : vector<16xi32> to vector<16xi32>
    %swap3A_574 = vector.shape_cast %add3A_570 : vector<16xi32> to vector<16xi32>
    tpu.vector_store %arg21[%swap3A_571], %swap3A_574 {strides = array<i32>} : memref<256xi32, #tpu.memory_space<vmem>>, vector<16xi32>,
    %get3A_575 = arith.constant 96 : index
    %get3A_576 = tpu.vector_load %arg17[%get3A_575] {strides = array<i32>} : memref<256xi32, #tpu.memory_space<vmem>>, vector<16xi32>,
    %get3A_577 = vector.shape_cast %get3A_576 : vector<16xi32> to vector<16xi32>
    %add3A_578 = arith.constant 200000 : i32
    %add3A_579 = vector.broadcast %add3A_578 : i32 to vector<16xi32>
    %add3A_580 = arith.addi %get3A_577, %add3A_579 : vector<16xi32>
    %swap3A_581 = arith.constant 96 : index
    %swap3A_582 = tpu.vector_load %arg21[%swap3A_581] {strides = array<i32>} : memref<256xi32, #tpu.memory_space<vmem>>, vector<16xi32>,
    %swap3A_583 = vector.shape_cast %swap3A_582 : vector<16xi32> to vector<16xi32>
    %swap3A_584 = vector.shape_cast %add3A_580 : vector<16xi32> to vector<16xi32>
    tpu.vector_store %arg21[%swap3A_581], %swap3A_584 {strides = array<i32>} : memref<256xi32, #tpu.memory_space<vmem>>, vector<16xi32>,
    %get3A_585 = arith.constant 112 : index
    %get3A_586 = tpu.vector_load %arg17[%get3A_585] {strides = array<i32>} : memref<256xi32, #tpu.memory_space<vmem>>, vector<16xi32>,
    %get3A_587 = vector.shape_cast %get3A_586 : vector<16xi32> to vector<16xi32>
    %add3A_588 = arith.constant 200000 : i32
    %add3A_589 = vector.broadcast %add3A_588 : i32 to vector<16xi32>
    %add3A_590 = arith.addi %get3A_587, %add3A_589 : vector<16xi32>
    %swap3A_591 = arith.constant 112 : index
    %swap3A_592 = tpu.vector_load %arg21[%swap3A_591] {strides = array<i32>} : memref<256xi32, #tpu.memory_space<vmem>>, vector<16xi32>,
    %swap3A_593 = vector.shape_cast %swap3A_592 : vector<16xi32> to vector<16xi32>
    %swap3A_594 = vector.shape_cast %add3A_590 : vector<16xi32> to vector<16xi32>
    tpu.vector_store %arg21[%swap3A_591], %swap3A_594 {strides = array<i32>} : memref<256xi32, #tpu.memory_space<vmem>>, vector<16xi32>,
    %get3A_595 = arith.constant 128 : index
    %get3A_596 = tpu.vector_load %arg17[%get3A_595] {strides = array<i32>} : memref<256xi32, #tpu.memory_space<vmem>>, vector<16xi32>,
    %get3A_597 = vector.shape_cast %get3A_596 : vector<16xi32> to vector<16xi32>
    %add3A_598 = arith.constant 200000 : i32
    %add3A_599 = vector.broadcast %add3A_598 : i32 to vector<16xi32>
    %add3A_600 = arith.addi %get3A_597, %add3A_599 : vector<16xi32>
    %swap3A_601 = arith.constant 128 : index
    %swap3A_602 = tpu.vector_load %arg21[%swap3A_601] {strides = array<i32>} : memref<256xi32, #tpu.memory_space<vmem>>, vector<16xi32>,
    %swap3A_603 = vector.shape_cast %swap3A_602 : vector<16xi32> to vector<16xi32>
    %swap3A_604 = vector.shape_cast %add3A_600 : vector<16xi32> to vector<16xi32>
    tpu.vector_store %arg21[%swap3A_601], %swap3A_604 {strides = array<i32>} : memref<256xi32, #tpu.memory_space<vmem>>, vector<16xi32>,
    %get3A_605 = arith.constant 144 : index
    %get3A_606 = tpu.vector_load %arg17[%get3A_605] {strides = array<i32>} : memref<256xi32, #tpu.memory_space<vmem>>, vector<16xi32>,
    %get3A_607 = vector.shape_cast %get3A_606 : vector<16xi32> to vector<16xi32>
    %add3A_608 = arith.constant 200000 : i32
    %add3A_609 = vector.broadcast %add3A_608 : i32 to vector<16xi32>
    %add3A_610 = arith.addi %get3A_607, %add3A_609 : vector<16xi32>
    %swap3A_611 = arith.constant 144 : index
    %swap3A_612 = tpu.vector_load %arg21[%swap3A_611] {strides = array<i32>} : memref<256xi32, #tpu.memory_space<vmem>>, vector<16xi32>,
    %swap3A_613 = vector.shape_cast %swap3A_612 : vector<16xi32> to vector<16xi32>
    %swap3A_614 = vector.shape_cast %add3A_610 : vector<16xi32> to vector<16xi32>
    tpu.vector_store %arg21[%swap3A_611], %swap3A_614 {strides = array<i32>} : memref<256xi32, #tpu.memory_space<vmem>>, vector<16xi32>,
    %get3A_615 = arith.constant 160 : index
    %get3A_616 = tpu.vector_load %arg17[%get3A_615] {strides = array<i32>} : memref<256xi32, #tpu.memory_space<vmem>>, vector<16xi32>,
    %get3A_617 = vector.shape_cast %get3A_616 : vector<16xi32> to vector<16xi32>
    %add3A_618 = arith.constant 200000 : i32
    %add3A_619 = vector.broadcast %add3A_618 : i32 to vector<16xi32>
    %add3A_620 = arith.addi %get3A_617, %add3A_619 : vector<16xi32>
    %swap3A_621 = arith.constant 160 : index
    %swap3A_622 = tpu.vector_load %arg21[%swap3A_621] {strides = array<i32>} : memref<256xi32, #tpu.memory_space<vmem>>, vector<16xi32>,
    %swap3A_623 = vector.shape_cast %swap3A_622 : vector<16xi32> to vector<16xi32>
    %swap3A_624 = vector.shape_cast %add3A_620 : vector<16xi32> to vector<16xi32>
    tpu.vector_store %arg21[%swap3A_621], %swap3A_624 {strides = array<i32>} : memref<256xi32, #tpu.memory_space<vmem>>, vector<16xi32>,
    %get3A_625 = arith.constant 176 : index
    %get3A_626 = tpu.vector_load %arg17[%get3A_625] {strides = array<i32>} : memref<256xi32, #tpu.memory_space<vmem>>, vector<16xi32>,
    %get3A_627 = vector.shape_cast %get3A_626 : vector<16xi32> to vector<16xi32>
    %add3A_628 = arith.constant 200000 : i32
    %add3A_629 = vector.broadcast %add3A_628 : i32 to vector<16xi32>
    %add3A_630 = arith.addi %get3A_627, %add3A_629 : vector<16xi32>
    %swap3A_631 = arith.constant 176 : index
    %swap3A_632 = tpu.vector_load %arg21[%swap3A_631] {strides = array<i32>} : memref<256xi32, #tpu.memory_space<vmem>>, vector<16xi32>,
    %swap3A_633 = vector.shape_cast %swap3A_632 : vector<16xi32> to vector<16xi32>
    %swap3A_634 = vector.shape_cast %add3A_630 : vector<16xi32> to vector<16xi32>
    tpu.vector_store %arg21[%swap3A_631], %swap3A_634 {strides = array<i32>} : memref<256xi32, #tpu.memory_space<vmem>>, vector<16xi32>,
    %get3A_635 = arith.constant 192 : index
    %get3A_636 = tpu.vector_load %arg17[%get3A_635] {strides = array<i32>} : memref<256xi32, #tpu.memory_space<vmem>>, vector<16xi32>,
    %get3A_637 = vector.shape_cast %get3A_636 : vector<16xi32> to vector<16xi32>
    %add3A_638 = arith.constant 200000 : i32
    %add3A_639 = vector.broadcast %add3A_638 : i32 to vector<16xi32>
    %add3A_640 = arith.addi %get3A_637, %add3A_639 : vector<16xi32>
    %swap3A_641 = arith.constant 192 : index
    %swap3A_642 = tpu.vector_load %arg21[%swap3A_641] {strides = array<i32>} : memref<256xi32, #tpu.memory_space<vmem>>, vector<16xi32>,
    %swap3A_643 = vector.shape_cast %swap3A_642 : vector<16xi32> to vector<16xi32>
    %swap3A_644 = vector.shape_cast %add3A_640 : vector<16xi32> to vector<16xi32>
    tpu.vector_store %arg21[%swap3A_641], %swap3A_644 {strides = array<i32>} : memref<256xi32, #tpu.memory_space<vmem>>, vector<16xi32>,
    %get3A_645 = arith.constant 208 : index
    %get3A_646 = tpu.vector_load %arg17[%get3A_645] {strides = array<i32>} : memref<256xi32, #tpu.memory_space<vmem>>, vector<16xi32>,
    %get3A_647 = vector.shape_cast %get3A_646 : vector<16xi32> to vector<16xi32>
    %add3A_648 = arith.constant 200000 : i32
    %add3A_649 = vector.broadcast %add3A_648 : i32 to vector<16xi32>
    %add3A_650 = arith.addi %get3A_647, %add3A_649 : vector<16xi32>
    %swap3A_651 = arith.constant 208 : index
    %swap3A_652 = tpu.vector_load %arg21[%swap3A_651] {strides = array<i32>} : memref<256xi32, #tpu.memory_space<vmem>>, vector<16xi32>,
    %swap3A_653 = vector.shape_cast %swap3A_652 : vector<16xi32> to vector<16xi32>
    %swap3A_654 = vector.shape_cast %add3A_650 : vector<16xi32> to vector<16xi32>
    tpu.vector_store %arg21[%swap3A_651], %swap3A_654 {strides = array<i32>} : memref<256xi32, #tpu.memory_space<vmem>>, vector<16xi32>,
    %get3A_655 = arith.constant 224 : index
    %get3A_656 = tpu.vector_load %arg17[%get3A_655] {strides = array<i32>} : memref<256xi32, #tpu.memory_space<vmem>>, vector<16xi32>,
    %get3A_657 = vector.shape_cast %get3A_656 : vector<16xi32> to vector<16xi32>
    %add3A_658 = arith.constant 200000 : i32
    %add3A_659 = vector.broadcast %add3A_658 : i32 to vector<16xi32>
    %add3A_660 = arith.addi %get3A_657, %add3A_659 : vector<16xi32>
    %swap3A_661 = arith.constant 224 : index
    %swap3A_662 = tpu.vector_load %arg21[%swap3A_661] {strides = array<i32>} : memref<256xi32, #tpu.memory_space<vmem>>, vector<16xi32>,
    %swap3A_663 = vector.shape_cast %swap3A_662 : vector<16xi32> to vector<16xi32>
    %swap3A_664 = vector.shape_cast %add3A_660 : vector<16xi32> to vector<16xi32>
    tpu.vector_store %arg21[%swap3A_661], %swap3A_664 {strides = array<i32>} : memref<256xi32, #tpu.memory_space<vmem>>, vector<16xi32>,
    %get3A_665 = arith.constant 240 : index
    %get3A_666 = tpu.vector_load %arg17[%get3A_665] {strides = array<i32>} : memref<256xi32, #tpu.memory_space<vmem>>, vector<16xi32>,
    %get3A_667 = vector.shape_cast %get3A_666 : vector<16xi32> to vector<16xi32>
    %add3A_668 = arith.constant 200000 : i32
    %add3A_669 = vector.broadcast %add3A_668 : i32 to vector<16xi32>
    %add3A_670 = arith.addi %get3A_667, %add3A_669 : vector<16xi32>
    %swap3A_671 = arith.constant 240 : index
    %swap3A_672 = tpu.vector_load %arg21[%swap3A_671] {strides = array<i32>} : memref<256xi32, #tpu.memory_space<vmem>>, vector<16xi32>,
    %swap3A_673 = vector.shape_cast %swap3A_672 : vector<16xi32> to vector<16xi32>
    %swap3A_674 = vector.shape_cast %add3A_670 : vector<16xi32> to vector<16xi32>
    tpu.vector_store %arg21[%swap3A_671], %swap3A_674 {strides = array<i32>} : memref<256xi32, #tpu.memory_space<vmem>>, vector<16xi32>,
    %add3A_675 = arith.constant 0 : i32
    %add3A_676 = arith.addi %add3A_675, %mul3A_2 : i32
    %add3A_677 = arith.constant 8192 : i32
    %add3A_678 = arith.addi %add3A_677, %mul3A_2 : i32
    %add3A_679 = arith.constant 16384 : i32
    %add3A_680 = arith.addi %add3A_679, %mul3A_2 : i32
    %dma_start3A_681 = arith.constant 0 : i32
    %dma_start3A_682 = arith.constant 0 : i32
    %dma_start3A_683 = tpu.memref_slice %arg2[%dma_start3A_681, %dma_start3A_682] : memref<100000x128xf32, #tpu.memory_space<hbm>> -> memref<100000x128xf32, #tpu.memory_space<hbm>>
    tpu.enqueue_indirect_dma source(%dma_start3A_683 : memref<100000x128xf32, #tpu.memory_space<hbm>>) target(%arg22 : memref<256x128xf32, #tpu.memory_space<vmem>>) offsets(%arg12 : memref<256xi32, #tpu.memory_space<vmem>>) semaphore(%arg26 : memref<!tpu.dma_semaphore, #tpu.memory_space<semaphore_mem>>)
    %dma_start3A_684 = arith.constant 0 : i32
    %dma_start3A_685 = arith.constant 0 : i32
    %dma_start3A_686 = tpu.memref_slice %arg3[%dma_start3A_684, %dma_start3A_685] : memref<300000x128xf32, #tpu.memory_space<hbm>> -> memref<300000x128xf32, #tpu.memory_space<hbm>>
    tpu.enqueue_indirect_dma source(%dma_start3A_686 : memref<300000x128xf32, #tpu.memory_space<hbm>>) target(%arg23 : memref<256x128xf32, #tpu.memory_space<vmem>>) offsets(%arg12 : memref<256xi32, #tpu.memory_space<vmem>>) semaphore(%arg27 : memref<!tpu.dma_semaphore, #tpu.memory_space<semaphore_mem>>)
    %dma_start3A_687 = arith.constant 0 : i32
    %dma_start3A_688 = arith.constant 0 : i32
    %dma_start3A_689 = tpu.memref_slice %arg4[%dma_start3A_687, %dma_start3A_688] : memref<100000x128xf32, #tpu.memory_space<hbm>> -> memref<100000x128xf32, #tpu.memory_space<hbm>>
    tpu.enqueue_indirect_dma source(%dma_start3A_689 : memref<100000x128xf32, #tpu.memory_space<hbm>>) target(%arg24 : memref<256x128xf32, #tpu.memory_space<vmem>>) offsets(%arg15 : memref<256xi32, #tpu.memory_space<vmem>>) semaphore(%arg28 : memref<!tpu.dma_semaphore, #tpu.memory_space<semaphore_mem>>)
    %dma_wait3A_690 = arith.constant 0 : i32
    %dma_wait3A_691 = arith.constant 0 : i32
    %dma_wait3A_692 = tpu.memref_slice %arg2[%dma_wait3A_690, %dma_wait3A_691] : memref<100000x128xf32, #tpu.memory_space<hbm>> -> memref<100000x128xf32, #tpu.memory_space<hbm>>
    tpu.wait_indirect_dma semaphore(%arg26 : memref<!tpu.dma_semaphore, #tpu.memory_space<semaphore_mem>>) src(%dma_wait3A_692 : memref<100000x128xf32, #tpu.memory_space<hbm>>) dst(%arg22 : memref<256x128xf32, #tpu.memory_space<vmem>>)
    %dma_start3A_693 = arith.constant 0 : i32
    %dma_start3A_694 = tpu.memref_slice %arg8[%add3A_676, %dma_start3A_693] : memref<24576x128xf32, #tpu.memory_space<hbm>> -> memref<256x128xf32, #tpu.memory_space<hbm>>
    %dma_start3A_695 = arith.constant 0 : i32
    %dma_start3A_696 = tpu.memref_slice %arg8[%add3A_676, %dma_start3A_695] : memref<24576x128xf32, #tpu.memory_space<hbm>> -> memref<256x128xf32, #tpu.memory_space<hbm>>
    tpu.enqueue_dma source(%arg22 : memref<256x128xf32, #tpu.memory_space<vmem>>) target(%dma_start3A_696 : memref<256x128xf32, #tpu.memory_space<hbm>>) target_semaphore(%arg29 : memref<!tpu.dma_semaphore, #tpu.memory_space<semaphore_mem>>)
    %dma_wait3A_697 = arith.constant 0 : i32
    %dma_wait3A_698 = tpu.memref_slice %arg8[%add3A_676, %dma_wait3A_697] : memref<24576x128xf32, #tpu.memory_space<hbm>> -> memref<256x128xf32, #tpu.memory_space<hbm>>
    %dma_wait3A_699 = arith.constant 0 : i32
    %dma_wait3A_700 = tpu.memref_slice %arg8[%add3A_676, %dma_wait3A_699] : memref<24576x128xf32, #tpu.memory_space<hbm>> -> memref<256x128xf32, #tpu.memory_space<hbm>>
    tpu.wait_dma2 semaphore(%arg29 : memref<!tpu.dma_semaphore, #tpu.memory_space<semaphore_mem>>) src(%arg22 : memref<256x128xf32, #tpu.memory_space<vmem>>) dst(%dma_wait3A_700 : memref<256x128xf32, #tpu.memory_space<hbm>>)
    %dma_start3A_701 = arith.constant 0 : i32
    %dma_start3A_702 = arith.constant 0 : i32
    %dma_start3A_703 = tpu.memref_slice %arg5[%dma_start3A_701, %dma_start3A_702] : memref<300000x128xf32, #tpu.memory_space<hbm>> -> memref<300000x128xf32, #tpu.memory_space<hbm>>
    tpu.enqueue_indirect_dma source(%dma_start3A_703 : memref<300000x128xf32, #tpu.memory_space<hbm>>) target(%arg22 : memref<256x128xf32, #tpu.memory_space<vmem>>) offsets(%arg15 : memref<256xi32, #tpu.memory_space<vmem>>) semaphore(%arg26 : memref<!tpu.dma_semaphore, #tpu.memory_space<semaphore_mem>>)
    %dma_wait3A_704 = arith.constant 0 : i32
    %dma_wait3A_705 = arith.constant 0 : i32
    %dma_wait3A_706 = tpu.memref_slice %arg3[%dma_wait3A_704, %dma_wait3A_705] : memref<300000x128xf32, #tpu.memory_space<hbm>> -> memref<300000x128xf32, #tpu.memory_space<hbm>>
    tpu.wait_indirect_dma semaphore(%arg27 : memref<!tpu.dma_semaphore, #tpu.memory_space<semaphore_mem>>) src(%dma_wait3A_706 : memref<300000x128xf32, #tpu.memory_space<hbm>>) dst(%arg23 : memref<256x128xf32, #tpu.memory_space<vmem>>)
    %dma_start3A_707 = arith.constant 0 : i32
    %dma_start3A_708 = tpu.memref_slice %arg9[%add3A_676, %dma_start3A_707] : memref<24576x128xf32, #tpu.memory_space<hbm>> -> memref<256x128xf32, #tpu.memory_space<hbm>>
    %dma_start3A_709 = arith.constant 0 : i32
    %dma_start3A_710 = tpu.memref_slice %arg9[%add3A_676, %dma_start3A_709] : memref<24576x128xf32, #tpu.memory_space<hbm>> -> memref<256x128xf32, #tpu.memory_space<hbm>>
    tpu.enqueue_dma source(%arg23 : memref<256x128xf32, #tpu.memory_space<vmem>>) target(%dma_start3A_710 : memref<256x128xf32, #tpu.memory_space<hbm>>) target_semaphore(%arg30 : memref<!tpu.dma_semaphore, #tpu.memory_space<semaphore_mem>>)
    %dma_wait3A_711 = arith.constant 0 : i32
    %dma_wait3A_712 = tpu.memref_slice %arg9[%add3A_676, %dma_wait3A_711] : memref<24576x128xf32, #tpu.memory_space<hbm>> -> memref<256x128xf32, #tpu.memory_space<hbm>>
    %dma_wait3A_713 = arith.constant 0 : i32
    %dma_wait3A_714 = tpu.memref_slice %arg9[%add3A_676, %dma_wait3A_713] : memref<24576x128xf32, #tpu.memory_space<hbm>> -> memref<256x128xf32, #tpu.memory_space<hbm>>
    tpu.wait_dma2 semaphore(%arg30 : memref<!tpu.dma_semaphore, #tpu.memory_space<semaphore_mem>>) src(%arg23 : memref<256x128xf32, #tpu.memory_space<vmem>>) dst(%dma_wait3A_714 : memref<256x128xf32, #tpu.memory_space<hbm>>)
    %dma_start3A_715 = arith.constant 0 : i32
    %dma_start3A_716 = arith.constant 0 : i32
    %dma_start3A_717 = tpu.memref_slice %arg2[%dma_start3A_715, %dma_start3A_716] : memref<100000x128xf32, #tpu.memory_space<hbm>> -> memref<100000x128xf32, #tpu.memory_space<hbm>>
    tpu.enqueue_indirect_dma source(%dma_start3A_717 : memref<100000x128xf32, #tpu.memory_space<hbm>>) target(%arg23 : memref<256x128xf32, #tpu.memory_space<vmem>>) offsets(%arg13 : memref<256xi32, #tpu.memory_space<vmem>>) semaphore(%arg27 : memref<!tpu.dma_semaphore, #tpu.memory_space<semaphore_mem>>)
    %dma_wait3A_718 = arith.constant 0 : i32
    %dma_wait3A_719 = arith.constant 0 : i32
    %dma_wait3A_720 = tpu.memref_slice %arg4[%dma_wait3A_718, %dma_wait3A_719] : memref<100000x128xf32, #tpu.memory_space<hbm>> -> memref<100000x128xf32, #tpu.memory_space<hbm>>
    tpu.wait_indirect_dma semaphore(%arg28 : memref<!tpu.dma_semaphore, #tpu.memory_space<semaphore_mem>>) src(%dma_wait3A_720 : memref<100000x128xf32, #tpu.memory_space<hbm>>) dst(%arg24 : memref<256x128xf32, #tpu.memory_space<vmem>>)
    %dma_start3A_721 = arith.constant 0 : i32
    %dma_start3A_722 = tpu.memref_slice %arg10[%add3A_676, %dma_start3A_721] : memref<24576x128xf32, #tpu.memory_space<hbm>> -> memref<256x128xf32, #tpu.memory_space<hbm>>
    %dma_start3A_723 = arith.constant 0 : i32
    %dma_start3A_724 = tpu.memref_slice %arg10[%add3A_676, %dma_start3A_723] : memref<24576x128xf32, #tpu.memory_space<hbm>> -> memref<256x128xf32, #tpu.memory_space<hbm>>
    tpu.enqueue_dma source(%arg24 : memref<256x128xf32, #tpu.memory_space<vmem>>) target(%dma_start3A_724 : memref<256x128xf32, #tpu.memory_space<hbm>>) target_semaphore(%arg31 : memref<!tpu.dma_semaphore, #tpu.memory_space<semaphore_mem>>)
    %dma_wait3A_725 = arith.constant 0 : i32
    %dma_wait3A_726 = tpu.memref_slice %arg10[%add3A_676, %dma_wait3A_725] : memref<24576x128xf32, #tpu.memory_space<hbm>> -> memref<256x128xf32, #tpu.memory_space<hbm>>
    %dma_wait3A_727 = arith.constant 0 : i32
    %dma_wait3A_728 = tpu.memref_slice %arg10[%add3A_676, %dma_wait3A_727] : memref<24576x128xf32, #tpu.memory_space<hbm>> -> memref<256x128xf32, #tpu.memory_space<hbm>>
    tpu.wait_dma2 semaphore(%arg31 : memref<!tpu.dma_semaphore, #tpu.memory_space<semaphore_mem>>) src(%arg24 : memref<256x128xf32, #tpu.memory_space<vmem>>) dst(%dma_wait3A_728 : memref<256x128xf32, #tpu.memory_space<hbm>>)
    %dma_start3A_729 = arith.constant 0 : i32
    %dma_start3A_730 = arith.constant 0 : i32
    %dma_start3A_731 = tpu.memref_slice %arg3[%dma_start3A_729, %dma_start3A_730] : memref<300000x128xf32, #tpu.memory_space<hbm>> -> memref<300000x128xf32, #tpu.memory_space<hbm>>
    tpu.enqueue_indirect_dma source(%dma_start3A_731 : memref<300000x128xf32, #tpu.memory_space<hbm>>) target(%arg24 : memref<256x128xf32, #tpu.memory_space<vmem>>) offsets(%arg18 : memref<256xi32, #tpu.memory_space<vmem>>) semaphore(%arg28 : memref<!tpu.dma_semaphore, #tpu.memory_space<semaphore_mem>>)
    %dma_wait3A_732 = arith.constant 0 : i32
    %dma_wait3A_733 = arith.constant 0 : i32
    %dma_wait3A_734 = tpu.memref_slice %arg5[%dma_wait3A_732, %dma_wait3A_733] : memref<300000x128xf32, #tpu.memory_space<hbm>> -> memref<300000x128xf32, #tpu.memory_space<hbm>>
    tpu.wait_indirect_dma semaphore(%arg26 : memref<!tpu.dma_semaphore, #tpu.memory_space<semaphore_mem>>) src(%dma_wait3A_734 : memref<300000x128xf32, #tpu.memory_space<hbm>>) dst(%arg22 : memref<256x128xf32, #tpu.memory_space<vmem>>)
    %dma_start3A_735 = arith.constant 0 : i32
    %dma_start3A_736 = tpu.memref_slice %arg11[%add3A_676, %dma_start3A_735] : memref<24576x128xf32, #tpu.memory_space<hbm>> -> memref<256x128xf32, #tpu.memory_space<hbm>>
    %dma_start3A_737 = arith.constant 0 : i32
    %dma_start3A_738 = tpu.memref_slice %arg11[%add3A_676, %dma_start3A_737] : memref<24576x128xf32, #tpu.memory_space<hbm>> -> memref<256x128xf32, #tpu.memory_space<hbm>>
    tpu.enqueue_dma source(%arg22 : memref<256x128xf32, #tpu.memory_space<vmem>>) target(%dma_start3A_738 : memref<256x128xf32, #tpu.memory_space<hbm>>) target_semaphore(%arg29 : memref<!tpu.dma_semaphore, #tpu.memory_space<semaphore_mem>>)
    %dma_wait3A_739 = arith.constant 0 : i32
    %dma_wait3A_740 = tpu.memref_slice %arg11[%add3A_676, %dma_wait3A_739] : memref<24576x128xf32, #tpu.memory_space<hbm>> -> memref<256x128xf32, #tpu.memory_space<hbm>>
    %dma_wait3A_741 = arith.constant 0 : i32
    %dma_wait3A_742 = tpu.memref_slice %arg11[%add3A_676, %dma_wait3A_741] : memref<24576x128xf32, #tpu.memory_space<hbm>> -> memref<256x128xf32, #tpu.memory_space<hbm>>
    tpu.wait_dma2 semaphore(%arg29 : memref<!tpu.dma_semaphore, #tpu.memory_space<semaphore_mem>>) src(%arg22 : memref<256x128xf32, #tpu.memory_space<vmem>>) dst(%dma_wait3A_742 : memref<256x128xf32, #tpu.memory_space<hbm>>)
    %dma_start3A_743 = arith.constant 0 : i32
    %dma_start3A_744 = arith.constant 0 : i32
    %dma_start3A_745 = tpu.memref_slice %arg4[%dma_start3A_743, %dma_start3A_744] : memref<100000x128xf32, #tpu.memory_space<hbm>> -> memref<100000x128xf32, #tpu.memory_space<hbm>>
    tpu.enqueue_indirect_dma source(%dma_start3A_745 : memref<100000x128xf32, #tpu.memory_space<hbm>>) target(%arg22 : memref<256x128xf32, #tpu.memory_space<vmem>>) offsets(%arg16 : memref<256xi32, #tpu.memory_space<vmem>>) semaphore(%arg26 : memref<!tpu.dma_semaphore, #tpu.memory_space<semaphore_mem>>)
    %dma_wait3A_746 = arith.constant 0 : i32
    %dma_wait3A_747 = arith.constant 0 : i32
    %dma_wait3A_748 = tpu.memref_slice %arg2[%dma_wait3A_746, %dma_wait3A_747] : memref<100000x128xf32, #tpu.memory_space<hbm>> -> memref<100000x128xf32, #tpu.memory_space<hbm>>
    tpu.wait_indirect_dma semaphore(%arg27 : memref<!tpu.dma_semaphore, #tpu.memory_space<semaphore_mem>>) src(%dma_wait3A_748 : memref<100000x128xf32, #tpu.memory_space<hbm>>) dst(%arg23 : memref<256x128xf32, #tpu.memory_space<vmem>>)
    %dma_start3A_749 = arith.constant 0 : i32
    %dma_start3A_750 = tpu.memref_slice %arg8[%add3A_678, %dma_start3A_749] : memref<24576x128xf32, #tpu.memory_space<hbm>> -> memref<256x128xf32, #tpu.memory_space<hbm>>
    %dma_start3A_751 = arith.constant 0 : i32
    %dma_start3A_752 = tpu.memref_slice %arg8[%add3A_678, %dma_start3A_751] : memref<24576x128xf32, #tpu.memory_space<hbm>> -> memref<256x128xf32, #tpu.memory_space<hbm>>
    tpu.enqueue_dma source(%arg23 : memref<256x128xf32, #tpu.memory_space<vmem>>) target(%dma_start3A_752 : memref<256x128xf32, #tpu.memory_space<hbm>>) target_semaphore(%arg30 : memref<!tpu.dma_semaphore, #tpu.memory_space<semaphore_mem>>)
    %dma_wait3A_753 = arith.constant 0 : i32
    %dma_wait3A_754 = tpu.memref_slice %arg8[%add3A_678, %dma_wait3A_753] : memref<24576x128xf32, #tpu.memory_space<hbm>> -> memref<256x128xf32, #tpu.memory_space<hbm>>
    %dma_wait3A_755 = arith.constant 0 : i32
    %dma_wait3A_756 = tpu.memref_slice %arg8[%add3A_678, %dma_wait3A_755] : memref<24576x128xf32, #tpu.memory_space<hbm>> -> memref<256x128xf32, #tpu.memory_space<hbm>>
    tpu.wait_dma2 semaphore(%arg30 : memref<!tpu.dma_semaphore, #tpu.memory_space<semaphore_mem>>) src(%arg23 : memref<256x128xf32, #tpu.memory_space<vmem>>) dst(%dma_wait3A_756 : memref<256x128xf32, #tpu.memory_space<hbm>>)
    %dma_start3A_757 = arith.constant 0 : i32
    %dma_start3A_758 = arith.constant 0 : i32
    %dma_start3A_759 = tpu.memref_slice %arg5[%dma_start3A_757, %dma_start3A_758] : memref<300000x128xf32, #tpu.memory_space<hbm>> -> memref<300000x128xf32, #tpu.memory_space<hbm>>
    tpu.enqueue_indirect_dma source(%dma_start3A_759 : memref<300000x128xf32, #tpu.memory_space<hbm>>) target(%arg23 : memref<256x128xf32, #tpu.memory_space<vmem>>) offsets(%arg20 : memref<256xi32, #tpu.memory_space<vmem>>) semaphore(%arg27 : memref<!tpu.dma_semaphore, #tpu.memory_space<semaphore_mem>>)
    %dma_wait3A_760 = arith.constant 0 : i32
    %dma_wait3A_761 = arith.constant 0 : i32
    %dma_wait3A_762 = tpu.memref_slice %arg3[%dma_wait3A_760, %dma_wait3A_761] : memref<300000x128xf32, #tpu.memory_space<hbm>> -> memref<300000x128xf32, #tpu.memory_space<hbm>>
    tpu.wait_indirect_dma semaphore(%arg28 : memref<!tpu.dma_semaphore, #tpu.memory_space<semaphore_mem>>) src(%dma_wait3A_762 : memref<300000x128xf32, #tpu.memory_space<hbm>>) dst(%arg24 : memref<256x128xf32, #tpu.memory_space<vmem>>)
    %dma_start3A_763 = arith.constant 0 : i32
    %dma_start3A_764 = tpu.memref_slice %arg9[%add3A_678, %dma_start3A_763] : memref<24576x128xf32, #tpu.memory_space<hbm>> -> memref<256x128xf32, #tpu.memory_space<hbm>>
    %dma_start3A_765 = arith.constant 0 : i32
    %dma_start3A_766 = tpu.memref_slice %arg9[%add3A_678, %dma_start3A_765] : memref<24576x128xf32, #tpu.memory_space<hbm>> -> memref<256x128xf32, #tpu.memory_space<hbm>>
    tpu.enqueue_dma source(%arg24 : memref<256x128xf32, #tpu.memory_space<vmem>>) target(%dma_start3A_766 : memref<256x128xf32, #tpu.memory_space<hbm>>) target_semaphore(%arg31 : memref<!tpu.dma_semaphore, #tpu.memory_space<semaphore_mem>>)
    %dma_wait3A_767 = arith.constant 0 : i32
    %dma_wait3A_768 = tpu.memref_slice %arg9[%add3A_678, %dma_wait3A_767] : memref<24576x128xf32, #tpu.memory_space<hbm>> -> memref<256x128xf32, #tpu.memory_space<hbm>>
    %dma_wait3A_769 = arith.constant 0 : i32
    %dma_wait3A_770 = tpu.memref_slice %arg9[%add3A_678, %dma_wait3A_769] : memref<24576x128xf32, #tpu.memory_space<hbm>> -> memref<256x128xf32, #tpu.memory_space<hbm>>
    tpu.wait_dma2 semaphore(%arg31 : memref<!tpu.dma_semaphore, #tpu.memory_space<semaphore_mem>>) src(%arg24 : memref<256x128xf32, #tpu.memory_space<vmem>>) dst(%dma_wait3A_770 : memref<256x128xf32, #tpu.memory_space<hbm>>)
    %dma_start3A_771 = arith.constant 0 : i32
    %dma_start3A_772 = arith.constant 0 : i32
    %dma_start3A_773 = tpu.memref_slice %arg2[%dma_start3A_771, %dma_start3A_772] : memref<100000x128xf32, #tpu.memory_space<hbm>> -> memref<100000x128xf32, #tpu.memory_space<hbm>>
    tpu.enqueue_indirect_dma source(%dma_start3A_773 : memref<100000x128xf32, #tpu.memory_space<hbm>>) target(%arg24 : memref<256x128xf32, #tpu.memory_space<vmem>>) offsets(%arg14 : memref<256xi32, #tpu.memory_space<vmem>>) semaphore(%arg28 : memref<!tpu.dma_semaphore, #tpu.memory_space<semaphore_mem>>)
    %dma_wait3A_774 = arith.constant 0 : i32
    %dma_wait3A_775 = arith.constant 0 : i32
    %dma_wait3A_776 = tpu.memref_slice %arg4[%dma_wait3A_774, %dma_wait3A_775] : memref<100000x128xf32, #tpu.memory_space<hbm>> -> memref<100000x128xf32, #tpu.memory_space<hbm>>
    tpu.wait_indirect_dma semaphore(%arg26 : memref<!tpu.dma_semaphore, #tpu.memory_space<semaphore_mem>>) src(%dma_wait3A_776 : memref<100000x128xf32, #tpu.memory_space<hbm>>) dst(%arg22 : memref<256x128xf32, #tpu.memory_space<vmem>>)
    %dma_start3A_777 = arith.constant 0 : i32
    %dma_start3A_778 = tpu.memref_slice %arg10[%add3A_678, %dma_start3A_777] : memref<24576x128xf32, #tpu.memory_space<hbm>> -> memref<256x128xf32, #tpu.memory_space<hbm>>
    %dma_start3A_779 = arith.constant 0 : i32
    %dma_start3A_780 = tpu.memref_slice %arg10[%add3A_678, %dma_start3A_779] : memref<24576x128xf32, #tpu.memory_space<hbm>> -> memref<256x128xf32, #tpu.memory_space<hbm>>
    tpu.enqueue_dma source(%arg22 : memref<256x128xf32, #tpu.memory_space<vmem>>) target(%dma_start3A_780 : memref<256x128xf32, #tpu.memory_space<hbm>>) target_semaphore(%arg29 : memref<!tpu.dma_semaphore, #tpu.memory_space<semaphore_mem>>)
    %dma_wait3A_781 = arith.constant 0 : i32
    %dma_wait3A_782 = tpu.memref_slice %arg10[%add3A_678, %dma_wait3A_781] : memref<24576x128xf32, #tpu.memory_space<hbm>> -> memref<256x128xf32, #tpu.memory_space<hbm>>
    %dma_wait3A_783 = arith.constant 0 : i32
    %dma_wait3A_784 = tpu.memref_slice %arg10[%add3A_678, %dma_wait3A_783] : memref<24576x128xf32, #tpu.memory_space<hbm>> -> memref<256x128xf32, #tpu.memory_space<hbm>>
    tpu.wait_dma2 semaphore(%arg29 : memref<!tpu.dma_semaphore, #tpu.memory_space<semaphore_mem>>) src(%arg22 : memref<256x128xf32, #tpu.memory_space<vmem>>) dst(%dma_wait3A_784 : memref<256x128xf32, #tpu.memory_space<hbm>>)
    %dma_start3A_785 = arith.constant 0 : i32
    %dma_start3A_786 = arith.constant 0 : i32
    %dma_start3A_787 = tpu.memref_slice %arg3[%dma_start3A_785, %dma_start3A_786] : memref<300000x128xf32, #tpu.memory_space<hbm>> -> memref<300000x128xf32, #tpu.memory_space<hbm>>
    tpu.enqueue_indirect_dma source(%dma_start3A_787 : memref<300000x128xf32, #tpu.memory_space<hbm>>) target(%arg22 : memref<256x128xf32, #tpu.memory_space<vmem>>) offsets(%arg19 : memref<256xi32, #tpu.memory_space<vmem>>) semaphore(%arg26 : memref<!tpu.dma_semaphore, #tpu.memory_space<semaphore_mem>>)
    %dma_wait3A_788 = arith.constant 0 : i32
    %dma_wait3A_789 = arith.constant 0 : i32
    %dma_wait3A_790 = tpu.memref_slice %arg5[%dma_wait3A_788, %dma_wait3A_789] : memref<300000x128xf32, #tpu.memory_space<hbm>> -> memref<300000x128xf32, #tpu.memory_space<hbm>>
    tpu.wait_indirect_dma semaphore(%arg27 : memref<!tpu.dma_semaphore, #tpu.memory_space<semaphore_mem>>) src(%dma_wait3A_790 : memref<300000x128xf32, #tpu.memory_space<hbm>>) dst(%arg23 : memref<256x128xf32, #tpu.memory_space<vmem>>)
    %dma_start3A_791 = arith.constant 0 : i32
    %dma_start3A_792 = tpu.memref_slice %arg11[%add3A_678, %dma_start3A_791] : memref<24576x128xf32, #tpu.memory_space<hbm>> -> memref<256x128xf32, #tpu.memory_space<hbm>>
    %dma_start3A_793 = arith.constant 0 : i32
    %dma_start3A_794 = tpu.memref_slice %arg11[%add3A_678, %dma_start3A_793] : memref<24576x128xf32, #tpu.memory_space<hbm>> -> memref<256x128xf32, #tpu.memory_space<hbm>>
    tpu.enqueue_dma source(%arg23 : memref<256x128xf32, #tpu.memory_space<vmem>>) target(%dma_start3A_794 : memref<256x128xf32, #tpu.memory_space<hbm>>) target_semaphore(%arg30 : memref<!tpu.dma_semaphore, #tpu.memory_space<semaphore_mem>>)
    %dma_wait3A_795 = arith.constant 0 : i32
    %dma_wait3A_796 = tpu.memref_slice %arg11[%add3A_678, %dma_wait3A_795] : memref<24576x128xf32, #tpu.memory_space<hbm>> -> memref<256x128xf32, #tpu.memory_space<hbm>>
    %dma_wait3A_797 = arith.constant 0 : i32
    %dma_wait3A_798 = tpu.memref_slice %arg11[%add3A_678, %dma_wait3A_797] : memref<24576x128xf32, #tpu.memory_space<hbm>> -> memref<256x128xf32, #tpu.memory_space<hbm>>
    tpu.wait_dma2 semaphore(%arg30 : memref<!tpu.dma_semaphore, #tpu.memory_space<semaphore_mem>>) src(%arg23 : memref<256x128xf32, #tpu.memory_space<vmem>>) dst(%dma_wait3A_798 : memref<256x128xf32, #tpu.memory_space<hbm>>)
    %dma_start3A_799 = arith.constant 0 : i32
    %dma_start3A_800 = arith.constant 0 : i32
    %dma_start3A_801 = tpu.memref_slice %arg4[%dma_start3A_799, %dma_start3A_800] : memref<100000x128xf32, #tpu.memory_space<hbm>> -> memref<100000x128xf32, #tpu.memory_space<hbm>>
    tpu.enqueue_indirect_dma source(%dma_start3A_801 : memref<100000x128xf32, #tpu.memory_space<hbm>>) target(%arg23 : memref<256x128xf32, #tpu.memory_space<vmem>>) offsets(%arg17 : memref<256xi32, #tpu.memory_space<vmem>>) semaphore(%arg27 : memref<!tpu.dma_semaphore, #tpu.memory_space<semaphore_mem>>)
    %dma_wait3A_802 = arith.constant 0 : i32
    %dma_wait3A_803 = arith.constant 0 : i32
    %dma_wait3A_804 = tpu.memref_slice %arg2[%dma_wait3A_802, %dma_wait3A_803] : memref<100000x128xf32, #tpu.memory_space<hbm>> -> memref<100000x128xf32, #tpu.memory_space<hbm>>
    tpu.wait_indirect_dma semaphore(%arg28 : memref<!tpu.dma_semaphore, #tpu.memory_space<semaphore_mem>>) src(%dma_wait3A_804 : memref<100000x128xf32, #tpu.memory_space<hbm>>) dst(%arg24 : memref<256x128xf32, #tpu.memory_space<vmem>>)
    %dma_start3A_805 = arith.constant 0 : i32
    %dma_start3A_806 = tpu.memref_slice %arg8[%add3A_680, %dma_start3A_805] : memref<24576x128xf32, #tpu.memory_space<hbm>> -> memref<256x128xf32, #tpu.memory_space<hbm>>
    %dma_start3A_807 = arith.constant 0 : i32
    %dma_start3A_808 = tpu.memref_slice %arg8[%add3A_680, %dma_start3A_807] : memref<24576x128xf32, #tpu.memory_space<hbm>> -> memref<256x128xf32, #tpu.memory_space<hbm>>
    tpu.enqueue_dma source(%arg24 : memref<256x128xf32, #tpu.memory_space<vmem>>) target(%dma_start3A_808 : memref<256x128xf32, #tpu.memory_space<hbm>>) target_semaphore(%arg31 : memref<!tpu.dma_semaphore, #tpu.memory_space<semaphore_mem>>)
    %dma_wait3A_809 = arith.constant 0 : i32
    %dma_wait3A_810 = tpu.memref_slice %arg8[%add3A_680, %dma_wait3A_809] : memref<24576x128xf32, #tpu.memory_space<hbm>> -> memref<256x128xf32, #tpu.memory_space<hbm>>
    %dma_wait3A_811 = arith.constant 0 : i32
    %dma_wait3A_812 = tpu.memref_slice %arg8[%add3A_680, %dma_wait3A_811] : memref<24576x128xf32, #tpu.memory_space<hbm>> -> memref<256x128xf32, #tpu.memory_space<hbm>>
    tpu.wait_dma2 semaphore(%arg31 : memref<!tpu.dma_semaphore, #tpu.memory_space<semaphore_mem>>) src(%arg24 : memref<256x128xf32, #tpu.memory_space<vmem>>) dst(%dma_wait3A_812 : memref<256x128xf32, #tpu.memory_space<hbm>>)
    %dma_start3A_813 = arith.constant 0 : i32
    %dma_start3A_814 = arith.constant 0 : i32
    %dma_start3A_815 = tpu.memref_slice %arg5[%dma_start3A_813, %dma_start3A_814] : memref<300000x128xf32, #tpu.memory_space<hbm>> -> memref<300000x128xf32, #tpu.memory_space<hbm>>
    tpu.enqueue_indirect_dma source(%dma_start3A_815 : memref<300000x128xf32, #tpu.memory_space<hbm>>) target(%arg24 : memref<256x128xf32, #tpu.memory_space<vmem>>) offsets(%arg21 : memref<256xi32, #tpu.memory_space<vmem>>) semaphore(%arg28 : memref<!tpu.dma_semaphore, #tpu.memory_space<semaphore_mem>>)
    %dma_wait3A_816 = arith.constant 0 : i32
    %dma_wait3A_817 = arith.constant 0 : i32
    %dma_wait3A_818 = tpu.memref_slice %arg3[%dma_wait3A_816, %dma_wait3A_817] : memref<300000x128xf32, #tpu.memory_space<hbm>> -> memref<300000x128xf32, #tpu.memory_space<hbm>>
    tpu.wait_indirect_dma semaphore(%arg26 : memref<!tpu.dma_semaphore, #tpu.memory_space<semaphore_mem>>) src(%dma_wait3A_818 : memref<300000x128xf32, #tpu.memory_space<hbm>>) dst(%arg22 : memref<256x128xf32, #tpu.memory_space<vmem>>)
    %dma_start3A_819 = arith.constant 0 : i32
    %dma_start3A_820 = tpu.memref_slice %arg9[%add3A_680, %dma_start3A_819] : memref<24576x128xf32, #tpu.memory_space<hbm>> -> memref<256x128xf32, #tpu.memory_space<hbm>>
    %dma_start3A_821 = arith.constant 0 : i32
    %dma_start3A_822 = tpu.memref_slice %arg9[%add3A_680, %dma_start3A_821] : memref<24576x128xf32, #tpu.memory_space<hbm>> -> memref<256x128xf32, #tpu.memory_space<hbm>>
    tpu.enqueue_dma source(%arg22 : memref<256x128xf32, #tpu.memory_space<vmem>>) target(%dma_start3A_822 : memref<256x128xf32, #tpu.memory_space<hbm>>) target_semaphore(%arg29 : memref<!tpu.dma_semaphore, #tpu.memory_space<semaphore_mem>>)
    %dma_wait3A_823 = arith.constant 0 : i32
    %dma_wait3A_824 = arith.constant 0 : i32
    %dma_wait3A_825 = tpu.memref_slice %arg4[%dma_wait3A_823, %dma_wait3A_824] : memref<100000x128xf32, #tpu.memory_space<hbm>> -> memref<100000x128xf32, #tpu.memory_space<hbm>>
    tpu.wait_indirect_dma semaphore(%arg27 : memref<!tpu.dma_semaphore, #tpu.memory_space<semaphore_mem>>) src(%dma_wait3A_825 : memref<100000x128xf32, #tpu.memory_space<hbm>>) dst(%arg23 : memref<256x128xf32, #tpu.memory_space<vmem>>)
    %dma_start3A_826 = arith.constant 0 : i32
    %dma_start3A_827 = tpu.memref_slice %arg10[%add3A_680, %dma_start3A_826] : memref<24576x128xf32, #tpu.memory_space<hbm>> -> memref<256x128xf32, #tpu.memory_space<hbm>>
    %dma_start3A_828 = arith.constant 0 : i32
    %dma_start3A_829 = tpu.memref_slice %arg10[%add3A_680, %dma_start3A_828] : memref<24576x128xf32, #tpu.memory_space<hbm>> -> memref<256x128xf32, #tpu.memory_space<hbm>>
    tpu.enqueue_dma source(%arg23 : memref<256x128xf32, #tpu.memory_space<vmem>>) target(%dma_start3A_829 : memref<256x128xf32, #tpu.memory_space<hbm>>) target_semaphore(%arg30 : memref<!tpu.dma_semaphore, #tpu.memory_space<semaphore_mem>>)
    %dma_wait3A_830 = arith.constant 0 : i32
    %dma_wait3A_831 = arith.constant 0 : i32
    %dma_wait3A_832 = tpu.memref_slice %arg5[%dma_wait3A_830, %dma_wait3A_831] : memref<300000x128xf32, #tpu.memory_space<hbm>> -> memref<300000x128xf32, #tpu.memory_space<hbm>>
    tpu.wait_indirect_dma semaphore(%arg28 : memref<!tpu.dma_semaphore, #tpu.memory_space<semaphore_mem>>) src(%dma_wait3A_832 : memref<300000x128xf32, #tpu.memory_space<hbm>>) dst(%arg24 : memref<256x128xf32, #tpu.memory_space<vmem>>)
    %dma_start3A_833 = arith.constant 0 : i32
    %dma_start3A_834 = tpu.memref_slice %arg11[%add3A_680, %dma_start3A_833] : memref<24576x128xf32, #tpu.memory_space<hbm>> -> memref<256x128xf32, #tpu.memory_space<hbm>>
    %dma_start3A_835 = arith.constant 0 : i32
    %dma_start3A_836 = tpu.memref_slice %arg11[%add3A_680, %dma_start3A_835] : memref<24576x128xf32, #tpu.memory_space<hbm>> -> memref<256x128xf32, #tpu.memory_space<hbm>>
    tpu.enqueue_dma source(%arg24 : memref<256x128xf32, #tpu.memory_space<vmem>>) target(%dma_start3A_836 : memref<256x128xf32, #tpu.memory_space<hbm>>) target_semaphore(%arg31 : memref<!tpu.dma_semaphore, #tpu.memory_space<semaphore_mem>>)
    %dma_wait3A_837 = arith.constant 0 : i32
    %dma_wait3A_838 = tpu.memref_slice %arg9[%add3A_680, %dma_wait3A_837] : memref<24576x128xf32, #tpu.memory_space<hbm>> -> memref<256x128xf32, #tpu.memory_space<hbm>>
    %dma_wait3A_839 = arith.constant 0 : i32
    %dma_wait3A_840 = tpu.memref_slice %arg9[%add3A_680, %dma_wait3A_839] : memref<24576x128xf32, #tpu.memory_space<hbm>> -> memref<256x128xf32, #tpu.memory_space<hbm>>
    tpu.wait_dma2 semaphore(%arg29 : memref<!tpu.dma_semaphore, #tpu.memory_space<semaphore_mem>>) src(%arg22 : memref<256x128xf32, #tpu.memory_space<vmem>>) dst(%dma_wait3A_840 : memref<256x128xf32, #tpu.memory_space<hbm>>)
    %dma_wait3A_841 = arith.constant 0 : i32
    %dma_wait3A_842 = tpu.memref_slice %arg10[%add3A_680, %dma_wait3A_841] : memref<24576x128xf32, #tpu.memory_space<hbm>> -> memref<256x128xf32, #tpu.memory_space<hbm>>
    %dma_wait3A_843 = arith.constant 0 : i32
    %dma_wait3A_844 = tpu.memref_slice %arg10[%add3A_680, %dma_wait3A_843] : memref<24576x128xf32, #tpu.memory_space<hbm>> -> memref<256x128xf32, #tpu.memory_space<hbm>>
    tpu.wait_dma2 semaphore(%arg30 : memref<!tpu.dma_semaphore, #tpu.memory_space<semaphore_mem>>) src(%arg23 : memref<256x128xf32, #tpu.memory_space<vmem>>) dst(%dma_wait3A_844 : memref<256x128xf32, #tpu.memory_space<hbm>>)
    %dma_wait3A_845 = arith.constant 0 : i32
    %dma_wait3A_846 = tpu.memref_slice %arg11[%add3A_680, %dma_wait3A_845] : memref<24576x128xf32, #tpu.memory_space<hbm>> -> memref<256x128xf32, #tpu.memory_space<hbm>>
    %dma_wait3A_847 = arith.constant 0 : i32
    %dma_wait3A_848 = tpu.memref_slice %arg11[%add3A_680, %dma_wait3A_847] : memref<24576x128xf32, #tpu.memory_space<hbm>> -> memref<256x128xf32, #tpu.memory_space<hbm>>
    tpu.wait_dma2 semaphore(%arg31 : memref<!tpu.dma_semaphore, #tpu.memory_space<semaphore_mem>>) src(%arg24 : memref<256x128xf32, #tpu.memory_space<vmem>>) dst(%dma_wait3A_848 : memref<256x128xf32, #tpu.memory_space<hbm>>)
    return
  }
}

module attributes {stable_mosaic.version = 14 : i64} {
  func.func @_tc_body(%arg0: i32, %arg1: i32, %arg2: memref<4096x128xf32, #tpu.memory_space<vmem>>, %arg3: memref<4096x128xf32, #tpu.memory_space<vmem>>, %arg4: memref<4096x128xf32, #tpu.memory_space<vmem>>, %arg5: memref<4096x128xf32, #tpu.memory_space<vmem>>, %arg6: memref<4096x128xf32, #tpu.memory_space<vmem>>, %arg7: memref<4096x128xf32, #tpu.memory_space<vmem>>, %arg8: memref<4096x128xf32, #tpu.memory_space<vmem>>, %arg9: memref<4096x128xf32, #tpu.memory_space<vmem>>, %arg10: memref<384x128xf32, #tpu.memory_space<vmem>>, %arg11: memref<1x128xf32, #tpu.memory_space<vmem>>, %arg12: memref<1x128xf32, #tpu.memory_space<vmem>>, %arg13: memref<1x1xf32, #tpu.memory_space<vmem>>, %arg14: memref<1x1xf32, #tpu.memory_space<vmem>>) attributes {dimension_semantics = [#tpu.dimension_semantics<arbitrary>, #tpu.dimension_semantics<arbitrary>], iteration_bounds = array<i64: 3, 1>, scalar_prefetch = 0 : i64, scratch_operands = 0 : i64, tpu.core_type = #tpu.core_type<tc>, window_params = [{transform_indices = @transform_0, window_bounds = array<i64: 4096, 128>}, {transform_indices = @transform_1, window_bounds = array<i64: 4096, 128>}, {transform_indices = @transform_2, window_bounds = array<i64: 4096, 128>}, {transform_indices = @transform_3, window_bounds = array<i64: 4096, 128>}, {transform_indices = @transform_4, window_bounds = array<i64: 4096, 128>}, {transform_indices = @transform_5, window_bounds = array<i64: 4096, 128>}, {transform_indices = @transform_6, window_bounds = array<i64: 4096, 128>}, {transform_indices = @transform_7, window_bounds = array<i64: 4096, 128>}, {pipeline_mode = #tpu.pipeline_mode<synchronous>, transform_indices = @transform_8, window_bounds = array<i64: 384, 128>}, {pipeline_mode = #tpu.pipeline_mode<synchronous>, transform_indices = @transform_9, window_bounds = array<i64: 1, 128>}, {pipeline_mode = #tpu.pipeline_mode<synchronous>, transform_indices = @transform_10, window_bounds = array<i64: 1, 128>}, {pipeline_mode = #tpu.pipeline_mode<synchronous>, transform_indices = @transform_11, window_bounds = array<i64: 1, 1>}, {pipeline_mode = #tpu.pipeline_mode<synchronous>, transform_indices = @transform_12, window_bounds = array<i64: 1, 1>}]} {
    %eq3A = arith.constant 0 : i32
    %eq3A_0 = arith.cmpi eq, %arg0, %eq3A : i32
    %eq3A_1 = arith.constant 0 : i32
    %eq3A_2 = arith.cmpi eq, %arg1, %eq3A_1 : i32
    %and3A = arith.andi %eq3A_0, %eq3A_2 : i1
    %convert_element_type3A = arith.extui %and3A : i1 to i32
    %cond3A = arith.constant 0 : i32
    %cond3A_3 = arith.cmpi ne, %convert_element_type3A, %cond3A : i32
    scf.if %cond3A_3 {
      %broadcast_in_dim3A = arith.constant 0.000000e+00 : f32
      %broadcast_in_dim3A_165 = vector.broadcast %broadcast_in_dim3A : f32 to vector<1x1xf32>
      %swap3A_166 = arith.constant 0 : index
      %swap3A_167 = arith.constant 0 : index
      %swap3A_168 = vector.load %arg14[%swap3A_166, %swap3A_167] : memref<1x1xf32, #tpu.memory_space<vmem>>, vector<1x1xf32>
      tpu.vector_store %arg14[%swap3A_166, %swap3A_167], %broadcast_in_dim3A_165 {strides = array<i32>} : memref<1x1xf32, #tpu.memory_space<vmem>>, vector<1x1xf32>,
    } else {
    }
    %get3A = arith.constant 0 : index
    %get3A_4 = arith.constant 0 : index
    %get3A_5 = vector.load %arg10[%get3A, %get3A_4] : memref<384x128xf32, #tpu.memory_space<vmem>>, vector<384x128xf32>
    %get3A_6 = arith.constant 0 : index
    %get3A_7 = arith.constant 0 : index
    %get3A_8 = vector.load %arg11[%get3A_6, %get3A_7] : memref<1x128xf32, #tpu.memory_space<vmem>>, vector<1x128xf32>
    %get3A_9 = arith.constant 0 : index
    %get3A_10 = arith.constant 0 : index
    %get3A_11 = vector.load %arg12[%get3A_9, %get3A_10] : memref<1x128xf32, #tpu.memory_space<vmem>>, vector<1x128xf32>
    %get3A_12 = arith.constant 0 : index
    %get3A_13 = arith.constant 0 : index
    %get3A_14 = vector.load %arg13[%get3A_12, %get3A_13] : memref<1x1xf32, #tpu.memory_space<vmem>>, vector<1x1xf32>
    %get3A_15 = vector.extract %get3A_14[0, 0] : f32 from vector<1x1xf32>
    %get3A_16 = arith.constant 0 : index
    %get3A_17 = arith.constant 0 : index
    %get3A_18 = vector.load %arg2[%get3A_16, %get3A_17] : memref<4096x128xf32, #tpu.memory_space<vmem>>, vector<4096x128xf32>
    %get3A_19 = arith.constant 0 : index
    %get3A_20 = arith.constant 0 : index
    %get3A_21 = vector.load %arg4[%get3A_19, %get3A_20] : memref<4096x128xf32, #tpu.memory_space<vmem>>, vector<4096x128xf32>
    %get3A_22 = arith.constant 0 : index
    %get3A_23 = arith.constant 0 : index
    %get3A_24 = vector.load %arg3[%get3A_22, %get3A_23] : memref<4096x128xf32, #tpu.memory_space<vmem>>, vector<4096x128xf32>
    %get3A_25 = arith.constant 0 : index
    %get3A_26 = arith.constant 0 : index
    %get3A_27 = vector.load %arg5[%get3A_25, %get3A_26] : memref<4096x128xf32, #tpu.memory_space<vmem>>, vector<4096x128xf32>
    %mul3A = arith.mulf %get3A_18, %get3A_21 : vector<4096x128xf32>
    %slice3A = vector.extract_strided_slice %get3A_5 {offsets = [0, 0], sizes = [128, 128], strides = [1, 1]} : vector<384x128xf32> to vector<128x128xf32>
    %dot_general3A = arith.constant dense<0.000000e+00> : vector<4096x128xf32>
    %dot_general3A_28 = tpu.matmul %mul3A, %slice3A, %dot_general3A {dimension_numbers = #tpu.dot_dimension_numbers<[1], [0], [0], [1], [0, 0, 1, 1], [], []>, transpose_lhs_hint = false} : vector<4096x128xf32>, vector<128x128xf32>, vector<4096x128xf32> -> vector<4096x128xf32>
    %slice3A_29 = vector.extract_strided_slice %get3A_5 {offsets = [128, 0], sizes = [128, 128], strides = [1, 1]} : vector<384x128xf32> to vector<128x128xf32>
    %dot_general3A_30 = arith.constant dense<0.000000e+00> : vector<4096x128xf32>
    %dot_general3A_31 = tpu.matmul %get3A_18, %slice3A_29, %dot_general3A_30 {dimension_numbers = #tpu.dot_dimension_numbers<[1], [0], [0], [1], [0, 0, 1, 1], [], []>, transpose_lhs_hint = false} : vector<4096x128xf32>, vector<128x128xf32>, vector<4096x128xf32> -> vector<4096x128xf32>
    %add3A = arith.addf %dot_general3A_28, %dot_general3A_31 : vector<4096x128xf32>
    %slice3A_32 = vector.extract_strided_slice %get3A_5 {offsets = [256, 0], sizes = [128, 128], strides = [1, 1]} : vector<384x128xf32> to vector<128x128xf32>
    %dot_general3A_33 = arith.constant dense<0.000000e+00> : vector<4096x128xf32>
    %dot_general3A_34 = tpu.matmul %get3A_21, %slice3A_32, %dot_general3A_33 {dimension_numbers = #tpu.dot_dimension_numbers<[1], [0], [0], [1], [0, 0, 1, 1], [], []>, transpose_lhs_hint = false} : vector<4096x128xf32>, vector<128x128xf32>, vector<4096x128xf32> -> vector<4096x128xf32>
    %add3A_35 = arith.addf %add3A, %dot_general3A_34 : vector<4096x128xf32>
    %add3A_36 = vector.broadcast %get3A_8 : vector<1x128xf32> to vector<4096x128xf32>
    %add3A_37 = arith.addf %add3A_35, %add3A_36 : vector<4096x128xf32>
    %gt3A = arith.constant 0.000000e+00 : f32
    %gt3A_38 = vector.broadcast %gt3A : f32 to vector<4096x128xf32>
    %gt3A_39 = arith.cmpf ogt, %add3A_37, %gt3A_38 : vector<4096x128xf32>
    %mul3A_40 = arith.constant 2.000000e-01 : f32
    %mul3A_41 = vector.broadcast %mul3A_40 : f32 to vector<4096x128xf32>
    %mul3A_42 = arith.mulf %mul3A_41, %add3A_37 : vector<4096x128xf32>
    %select_n3A = arith.select %gt3A_39, %add3A_37, %mul3A_42 : vector<4096x128xi1>, vector<4096x128xf32>
    %mul3A_43 = vector.broadcast %get3A_11 : vector<1x128xf32> to vector<4096x128xf32>
    %mul3A_44 = arith.mulf %select_n3A, %mul3A_43 : vector<4096x128xf32>
    %reduce_sum3A = arith.constant dense<0.000000e+00> : vector<4096xf32>
    %reduce_sum3A_45 = vector.multi_reduction <add>, %mul3A_44, %reduce_sum3A [1] : vector<4096x128xf32> to vector<4096xf32>
    %add3A_46 = vector.broadcast %get3A_15 : f32 to vector<4096xf32>
    %add3A_47 = arith.addf %reduce_sum3A_45, %add3A_46 : vector<4096xf32>
    %neg3A = arith.constant 0.000000e+00 : f32
    %neg3A_48 = vector.broadcast %neg3A : f32 to vector<4096xf32>
    %neg3A_49 = arith.subf %neg3A_48, %add3A_47 : vector<4096xf32>
    %exp3A = math.exp %neg3A_49 : vector<4096xf32>
    %add3A_50 = arith.constant 1.000000e+00 : f32
    %add3A_51 = vector.broadcast %add3A_50 : f32 to vector<4096xf32>
    %add3A_52 = arith.addf %add3A_51, %exp3A : vector<4096xf32>
    %div3A = arith.constant 1.000000e+00 : f32
    %div3A_53 = vector.broadcast %div3A : f32 to vector<4096xf32>
    %div3A_54 = arith.divf %div3A_53, %add3A_52 : vector<4096xf32>
    %mul3A_55 = arith.mulf %get3A_24, %get3A_27 : vector<4096x128xf32>
    %slice3A_56 = vector.extract_strided_slice %get3A_5 {offsets = [0, 0], sizes = [128, 128], strides = [1, 1]} : vector<384x128xf32> to vector<128x128xf32>
    %dot_general3A_57 = arith.constant dense<0.000000e+00> : vector<4096x128xf32>
    %dot_general3A_58 = tpu.matmul %mul3A_55, %slice3A_56, %dot_general3A_57 {dimension_numbers = #tpu.dot_dimension_numbers<[1], [0], [0], [1], [0, 0, 1, 1], [], []>, transpose_lhs_hint = false} : vector<4096x128xf32>, vector<128x128xf32>, vector<4096x128xf32> -> vector<4096x128xf32>
    %slice3A_59 = vector.extract_strided_slice %get3A_5 {offsets = [128, 0], sizes = [128, 128], strides = [1, 1]} : vector<384x128xf32> to vector<128x128xf32>
    %dot_general3A_60 = arith.constant dense<0.000000e+00> : vector<4096x128xf32>
    %dot_general3A_61 = tpu.matmul %get3A_24, %slice3A_59, %dot_general3A_60 {dimension_numbers = #tpu.dot_dimension_numbers<[1], [0], [0], [1], [0, 0, 1, 1], [], []>, transpose_lhs_hint = false} : vector<4096x128xf32>, vector<128x128xf32>, vector<4096x128xf32> -> vector<4096x128xf32>
    %add3A_62 = arith.addf %dot_general3A_58, %dot_general3A_61 : vector<4096x128xf32>
    %slice3A_63 = vector.extract_strided_slice %get3A_5 {offsets = [256, 0], sizes = [128, 128], strides = [1, 1]} : vector<384x128xf32> to vector<128x128xf32>
    %dot_general3A_64 = arith.constant dense<0.000000e+00> : vector<4096x128xf32>
    %dot_general3A_65 = tpu.matmul %get3A_27, %slice3A_63, %dot_general3A_64 {dimension_numbers = #tpu.dot_dimension_numbers<[1], [0], [0], [1], [0, 0, 1, 1], [], []>, transpose_lhs_hint = false} : vector<4096x128xf32>, vector<128x128xf32>, vector<4096x128xf32> -> vector<4096x128xf32>
    %add3A_66 = arith.addf %add3A_62, %dot_general3A_65 : vector<4096x128xf32>
    %add3A_67 = vector.broadcast %get3A_8 : vector<1x128xf32> to vector<4096x128xf32>
    %add3A_68 = arith.addf %add3A_66, %add3A_67 : vector<4096x128xf32>
    %gt3A_69 = arith.constant 0.000000e+00 : f32
    %gt3A_70 = vector.broadcast %gt3A_69 : f32 to vector<4096x128xf32>
    %gt3A_71 = arith.cmpf ogt, %add3A_68, %gt3A_70 : vector<4096x128xf32>
    %mul3A_72 = arith.constant 2.000000e-01 : f32
    %mul3A_73 = vector.broadcast %mul3A_72 : f32 to vector<4096x128xf32>
    %mul3A_74 = arith.mulf %mul3A_73, %add3A_68 : vector<4096x128xf32>
    %select_n3A_75 = arith.select %gt3A_71, %add3A_68, %mul3A_74 : vector<4096x128xi1>, vector<4096x128xf32>
    %mul3A_76 = vector.broadcast %get3A_11 : vector<1x128xf32> to vector<4096x128xf32>
    %mul3A_77 = arith.mulf %select_n3A_75, %mul3A_76 : vector<4096x128xf32>
    %reduce_sum3A_78 = arith.constant dense<0.000000e+00> : vector<4096xf32>
    %reduce_sum3A_79 = vector.multi_reduction <add>, %mul3A_77, %reduce_sum3A_78 [1] : vector<4096x128xf32> to vector<4096xf32>
    %add3A_80 = vector.broadcast %get3A_15 : f32 to vector<4096xf32>
    %add3A_81 = arith.addf %reduce_sum3A_79, %add3A_80 : vector<4096xf32>
    %neg3A_82 = arith.constant 0.000000e+00 : f32
    %neg3A_83 = vector.broadcast %neg3A_82 : f32 to vector<4096xf32>
    %neg3A_84 = arith.subf %neg3A_83, %add3A_81 : vector<4096xf32>
    %exp3A_85 = math.exp %neg3A_84 : vector<4096xf32>
    %add3A_86 = arith.constant 1.000000e+00 : f32
    %add3A_87 = vector.broadcast %add3A_86 : f32 to vector<4096xf32>
    %add3A_88 = arith.addf %add3A_87, %exp3A_85 : vector<4096xf32>
    %div3A_89 = arith.constant 1.000000e+00 : f32
    %div3A_90 = vector.broadcast %div3A_89 : f32 to vector<4096xf32>
    %div3A_91 = arith.divf %div3A_90, %add3A_88 : vector<4096xf32>
    %get3A_92 = arith.constant 0 : index
    %get3A_93 = arith.constant 0 : index
    %get3A_94 = vector.load %arg6[%get3A_92, %get3A_93] : memref<4096x128xf32, #tpu.memory_space<vmem>>, vector<4096x128xf32>
    %mul3A_95 = arith.mulf %get3A_18, %get3A_94 : vector<4096x128xf32>
    %gt3A_96 = arith.constant 0.000000e+00 : f32
    %gt3A_97 = vector.broadcast %gt3A_96 : f32 to vector<4096x128xf32>
    %gt3A_98 = arith.cmpf ogt, %mul3A_95, %gt3A_97 : vector<4096x128xf32>
    %mul3A_99 = arith.constant 2.000000e-01 : f32
    %mul3A_100 = vector.broadcast %mul3A_99 : f32 to vector<4096x128xf32>
    %mul3A_101 = arith.mulf %mul3A_100, %mul3A_95 : vector<4096x128xf32>
    %select_n3A_102 = arith.select %gt3A_98, %mul3A_95, %mul3A_101 : vector<4096x128xi1>, vector<4096x128xf32>
    %reduce_sum3A_103 = arith.constant dense<0.000000e+00> : vector<4096xf32>
    %reduce_sum3A_104 = vector.multi_reduction <add>, %select_n3A_102, %reduce_sum3A_103 [1] : vector<4096x128xf32> to vector<4096xf32>
    %get3A_105 = arith.constant 0 : index
    %get3A_106 = arith.constant 0 : index
    %get3A_107 = vector.load %arg7[%get3A_105, %get3A_106] : memref<4096x128xf32, #tpu.memory_space<vmem>>, vector<4096x128xf32>
    %mul3A_108 = arith.mulf %get3A_24, %get3A_107 : vector<4096x128xf32>
    %gt3A_109 = arith.constant 0.000000e+00 : f32
    %gt3A_110 = vector.broadcast %gt3A_109 : f32 to vector<4096x128xf32>
    %gt3A_111 = arith.cmpf ogt, %mul3A_108, %gt3A_110 : vector<4096x128xf32>
    %mul3A_112 = arith.constant 2.000000e-01 : f32
    %mul3A_113 = vector.broadcast %mul3A_112 : f32 to vector<4096x128xf32>
    %mul3A_114 = arith.mulf %mul3A_113, %mul3A_108 : vector<4096x128xf32>
    %select_n3A_115 = arith.select %gt3A_111, %mul3A_108, %mul3A_114 : vector<4096x128xi1>, vector<4096x128xf32>
    %reduce_sum3A_116 = arith.constant dense<0.000000e+00> : vector<4096xf32>
    %reduce_sum3A_117 = vector.multi_reduction <add>, %select_n3A_115, %reduce_sum3A_116 [1] : vector<4096x128xf32> to vector<4096xf32>
    %get3A_118 = arith.constant 0 : index
    %get3A_119 = arith.constant 0 : index
    %get3A_120 = vector.load %arg8[%get3A_118, %get3A_119] : memref<4096x128xf32, #tpu.memory_space<vmem>>, vector<4096x128xf32>
    %mul3A_121 = arith.mulf %get3A_21, %get3A_120 : vector<4096x128xf32>
    %gt3A_122 = arith.constant 0.000000e+00 : f32
    %gt3A_123 = vector.broadcast %gt3A_122 : f32 to vector<4096x128xf32>
    %gt3A_124 = arith.cmpf ogt, %mul3A_121, %gt3A_123 : vector<4096x128xf32>
    %mul3A_125 = arith.constant 2.000000e-01 : f32
    %mul3A_126 = vector.broadcast %mul3A_125 : f32 to vector<4096x128xf32>
    %mul3A_127 = arith.mulf %mul3A_126, %mul3A_121 : vector<4096x128xf32>
    %select_n3A_128 = arith.select %gt3A_124, %mul3A_121, %mul3A_127 : vector<4096x128xi1>, vector<4096x128xf32>
    %reduce_sum3A_129 = arith.constant dense<0.000000e+00> : vector<4096xf32>
    %reduce_sum3A_130 = vector.multi_reduction <add>, %select_n3A_128, %reduce_sum3A_129 [1] : vector<4096x128xf32> to vector<4096xf32>
    %get3A_131 = arith.constant 0 : index
    %get3A_132 = arith.constant 0 : index
    %get3A_133 = vector.load %arg9[%get3A_131, %get3A_132] : memref<4096x128xf32, #tpu.memory_space<vmem>>, vector<4096x128xf32>
    %mul3A_134 = arith.mulf %get3A_27, %get3A_133 : vector<4096x128xf32>
    %gt3A_135 = arith.constant 0.000000e+00 : f32
    %gt3A_136 = vector.broadcast %gt3A_135 : f32 to vector<4096x128xf32>
    %gt3A_137 = arith.cmpf ogt, %mul3A_134, %gt3A_136 : vector<4096x128xf32>
    %mul3A_138 = arith.constant 2.000000e-01 : f32
    %mul3A_139 = vector.broadcast %mul3A_138 : f32 to vector<4096x128xf32>
    %mul3A_140 = arith.mulf %mul3A_139, %mul3A_134 : vector<4096x128xf32>
    %select_n3A_141 = arith.select %gt3A_137, %mul3A_134, %mul3A_140 : vector<4096x128xi1>, vector<4096x128xf32>
    %reduce_sum3A_142 = arith.constant dense<0.000000e+00> : vector<4096xf32>
    %reduce_sum3A_143 = vector.multi_reduction <add>, %select_n3A_141, %reduce_sum3A_142 [1] : vector<4096x128xf32> to vector<4096xf32>
    %mul3A_144 = arith.mulf %div3A_54, %reduce_sum3A_104 : vector<4096xf32>
    %mul3A_145 = arith.mulf %div3A_91, %reduce_sum3A_117 : vector<4096xf32>
    %sub3A = arith.subf %mul3A_144, %mul3A_145 : vector<4096xf32>
    %sub3A_146 = arith.subf %reduce_sum3A_130, %reduce_sum3A_143 : vector<4096xf32>
    %mul3A_147 = arith.mulf %sub3A, %sub3A_146 : vector<4096xf32>
    %sub3A_148 = arith.constant 1.000000e+00 : f32
    %sub3A_149 = vector.broadcast %sub3A_148 : f32 to vector<4096xf32>
    %sub3A_150 = arith.subf %sub3A_149, %mul3A_147 : vector<4096xf32>
    %max3A = arith.constant 0.000000e+00 : f32
    %max3A_151 = vector.broadcast %max3A : f32 to vector<4096xf32>
    %max3A_152 = arith.maximumf %max3A_151, %sub3A_150 : vector<4096xf32>
    %reduce_sum3A_153 = vector.shape_cast %max3A_152 : vector<4096xf32> to vector<1x4096xf32>
    %reduce_sum3A_154 = arith.constant dense<0.000000e+00> : vector<1xf32>
    %reduce_sum3A_155 = vector.multi_reduction <add>, %reduce_sum3A_153, %reduce_sum3A_154 [1] : vector<1x4096xf32> to vector<1xf32>
    %reduce_sum3A_156 = vector.shape_cast %reduce_sum3A_155 : vector<1xf32> to vector<1x1xf32>
    %reduce_sum3A_157 = vector.extract %reduce_sum3A_156[0, 0] : f32 from vector<1x1xf32>
    %get3A_158 = arith.constant 0 : index
    %get3A_159 = arith.constant 0 : index
    %get3A_160 = vector.load %arg14[%get3A_158, %get3A_159] : memref<1x1xf32, #tpu.memory_space<vmem>>, vector<1x1xf32>
    %add3A_161 = vector.broadcast %reduce_sum3A_157 : f32 to vector<1x1xf32>
    %add3A_162 = arith.addf %get3A_160, %add3A_161 : vector<1x1xf32>
    %swap3A = arith.constant 0 : index
    %swap3A_163 = arith.constant 0 : index
    %swap3A_164 = vector.load %arg14[%swap3A, %swap3A_163] : memref<1x1xf32, #tpu.memory_space<vmem>>, vector<1x1xf32>
    tpu.vector_store %arg14[%swap3A, %swap3A_163], %add3A_162 {strides = array<i32>} : memref<1x1xf32, #tpu.memory_space<vmem>>, vector<1x1xf32>,
    return
  }
  func.func @transform_0(%arg0: i32, %arg1: i32) -> (i32, i32) {
    %mul3A = arith.constant 2 : i32
    %mul3A_0 = arith.muli %arg0, %mul3A : i32
    %add3A = arith.addi %mul3A_0, %arg1 : i32
    %c0_i32 = arith.constant 0 : i32
    %c0_i32_1 = arith.constant 0 : i32
    return %add3A, %c0_i32 : i32, i32
  }
  func.func @transform_1(%arg0: i32, %arg1: i32) -> (i32, i32) {
    %mul3A = arith.constant 2 : i32
    %mul3A_0 = arith.muli %arg0, %mul3A : i32
    %add3A = arith.constant 1 : i32
    %add3A_1 = arith.addi %mul3A_0, %add3A : i32
    %add3A_2 = arith.addi %add3A_1, %arg1 : i32
    %c0_i32 = arith.constant 0 : i32
    %c0_i32_3 = arith.constant 0 : i32
    return %add3A_2, %c0_i32 : i32, i32
  }
  func.func @transform_2(%arg0: i32, %arg1: i32) -> (i32, i32) {
    %mul3A = arith.constant 2 : i32
    %mul3A_0 = arith.muli %arg0, %mul3A : i32
    %add3A = arith.addi %mul3A_0, %arg1 : i32
    %c0_i32 = arith.constant 0 : i32
    %c0_i32_1 = arith.constant 0 : i32
    return %add3A, %c0_i32 : i32, i32
  }
  func.func @transform_3(%arg0: i32, %arg1: i32) -> (i32, i32) {
    %mul3A = arith.constant 2 : i32
    %mul3A_0 = arith.muli %arg0, %mul3A : i32
    %add3A = arith.constant 1 : i32
    %add3A_1 = arith.addi %mul3A_0, %add3A : i32
    %add3A_2 = arith.addi %add3A_1, %arg1 : i32
    %c0_i32 = arith.constant 0 : i32
    %c0_i32_3 = arith.constant 0 : i32
    return %add3A_2, %c0_i32 : i32, i32
  }
  func.func @transform_4(%arg0: i32, %arg1: i32) -> (i32, i32) {
    %mul3A = arith.constant 2 : i32
    %mul3A_0 = arith.muli %arg0, %mul3A : i32
    %add3A = arith.addi %mul3A_0, %arg1 : i32
    %c0_i32 = arith.constant 0 : i32
    %c0_i32_1 = arith.constant 0 : i32
    return %add3A, %c0_i32 : i32, i32
  }
  func.func @transform_5(%arg0: i32, %arg1: i32) -> (i32, i32) {
    %mul3A = arith.constant 2 : i32
    %mul3A_0 = arith.muli %arg0, %mul3A : i32
    %add3A = arith.constant 1 : i32
    %add3A_1 = arith.addi %mul3A_0, %add3A : i32
    %add3A_2 = arith.addi %add3A_1, %arg1 : i32
    %c0_i32 = arith.constant 0 : i32
    %c0_i32_3 = arith.constant 0 : i32
    return %add3A_2, %c0_i32 : i32, i32
  }
  func.func @transform_6(%arg0: i32, %arg1: i32) -> (i32, i32) {
    %mul3A = arith.constant 2 : i32
    %mul3A_0 = arith.muli %arg0, %mul3A : i32
    %add3A = arith.addi %mul3A_0, %arg1 : i32
    %c0_i32 = arith.constant 0 : i32
    %c0_i32_1 = arith.constant 0 : i32
    return %add3A, %c0_i32 : i32, i32
  }
  func.func @transform_7(%arg0: i32, %arg1: i32) -> (i32, i32) {
    %mul3A = arith.constant 2 : i32
    %mul3A_0 = arith.muli %arg0, %mul3A : i32
    %add3A = arith.constant 1 : i32
    %add3A_1 = arith.addi %mul3A_0, %add3A : i32
    %add3A_2 = arith.addi %add3A_1, %arg1 : i32
    %c0_i32 = arith.constant 0 : i32
    %c0_i32_3 = arith.constant 0 : i32
    return %add3A_2, %c0_i32 : i32, i32
  }
  func.func @transform_8(%arg0: i32, %arg1: i32) -> (i32, i32) {
    %c0_i32 = arith.constant 0 : i32
    %c0_i32_0 = arith.constant 0 : i32
    %c0_i32_1 = arith.constant 0 : i32
    return %c0_i32, %c0_i32_0 : i32, i32
  }
  func.func @transform_9(%arg0: i32, %arg1: i32) -> (i32, i32) {
    %c0_i32 = arith.constant 0 : i32
    %c0_i32_0 = arith.constant 0 : i32
    %c0_i32_1 = arith.constant 0 : i32
    return %c0_i32, %c0_i32_0 : i32, i32
  }
  func.func @transform_10(%arg0: i32, %arg1: i32) -> (i32, i32) {
    %c0_i32 = arith.constant 0 : i32
    %c0_i32_0 = arith.constant 0 : i32
    %c0_i32_1 = arith.constant 0 : i32
    return %c0_i32, %c0_i32_0 : i32, i32
  }
  func.func @transform_11(%arg0: i32, %arg1: i32) -> (i32, i32) {
    %c0_i32 = arith.constant 0 : i32
    %c0_i32_0 = arith.constant 0 : i32
    %c0_i32_1 = arith.constant 0 : i32
    return %c0_i32, %c0_i32_0 : i32, i32
  }
  func.func @transform_12(%arg0: i32, %arg1: i32) -> (i32, i32) {
    %c0_i32 = arith.constant 0 : i32
    %c0_i32_0 = arith.constant 0 : i32
    %c0_i32_1 = arith.constant 0 : i32
    return %c0_i32, %c0_i32_0 : i32, i32
  }
}

</mosaic_0001>

<sc_bundles>
// kernel: kernel.4.cloned.1.call-start
scs
__scs_entry_jumppad:
0x0: {  	(pc) =	sbr.rel $0x88, $3  }
0x1: {  	(tag) =	ssettag $0x0;
	lr =	simm.s32 $0x1  }
0x2: {  	[smem:$0x3F93] =	sst lr;
	_ =	strace $0xD0000000  }
0x3: {  	_ = 	snop  }
0x4: {  	_ = 	snop  }
0x5: {  	_ = 	snop  }
0x6: {  	_ = 	snop  }
0x7: {  	_ = 	snop  }
__scs_overlays_trampoline_lowered:
0x8: {  	[smem:$0x3FA2] =	sst s0  }
0x9: {  	[smem:$0x3FA3] =	sst s1  }
0xa: {  	[smem:$0x3FA4] =	sst s2  }
0xb: {  	[smem:$0x3FA5] =	sst s3  }
0xc: {  	[smem:$0x3FA6] =	sst s4  }
0xd: {  	[smem:$0x3FA7] =	sst s5  }
0xe: {  	[smem:$0x3FA8] =	sst s6  }
0xf: {  	[smem:$0x3FA9] =	sst s7  }
0x10: {  	[smem:$0x3FAA] =	sst s8  }
0x11: {  	[smem:$0x3FAB] =	sst s9;
	s0 =	simm.s32 @!p0 $0x0  }
0x12: {  	s1 =	sld [smem:$0x3F91];
	s0 =	simm.s32 @p0 $0x1  }
0x13: {  	[smem:$0x3FAC] =	sst s0;
	s0 =	simm.s32 @!p1 $0x0  }
0x14: {  	s2 =	sld [smem:$0x3F90];
	s0 =	simm.s32 @p1 $0x1  }
0x15: {  	[smem:$0x3FAD] =	sst s0;
	s0 =	simm.s32 @!p2 $0x0  }
0x16: {  	s3 =	sld [smem:$0x3FDB];
	s0 =	simm.s32 @p2 $0x1  }
0x17: {  	s4 =	simm.s32 $0x1BF5;
	[smem:$0x3FAF] =	sst s0  }
0x18: {  	s0 =	sld [smem:$0x3F92];
	_ =	swait.ge [sflag:s4], $0x0  }
0x19: {  	s7 =	sld [smem:$0x3F93]  }
0x1a: {  	s8 =	sadd.s32 $0xFFFFE003, lr  }
0x1b: {  	s9 =	sadd.s32 $0xFFFFFEF7, lr;
	s5 =	simm.s32 $0xFFFFFFFF;
	p2 =	slt.u32 s8, $0xFFFFF086  }
0x1c: {  	p1 =	slt.u32 s9, $0xF7A;
	s5 =	simm.s32 @!p2 $0x0  }
0x1d: {  	s5 =	simm.s32 @p1 $0x1;
	p0 =	seq.s32 s7, s2  }
0x1e: {  	s7 =	smul.u32 @!p0 $0xF7A, s2;
	p2 =	seq.s32 @!p0 s5, $0x0  }
0x1f: {  	s9 =	smul.u32 $0xF7A, s1;
	s8 =	simm.s32 @!p0 $0x1BF5;
	p2 =	por !p2, p0  }
0x20: {  	[sflag:s8] =	ssyncset.s32 @!p0 $0xFFFFF086;
	s6 =	sadd.s32 @!p0 s3, s7;
	s7 =	simm.s32 @!p0 $0x108  }
0x21: {  	s3 =	sadd.s32 s3, s9;
	s6 =	sadd.s32 @!p0 $0x88, s6;
	s7 =	simm.s32 @p2 $0x1082  }
0x22: {  	[simem:s7], [sflag:s8] =	dma.local @!p0 [hbm:s6], $0xF7A  }
0x23: {  	s9 =	sor.u32 $0xD0000000, s2;
	s6 =	simm.s32 $0x108;
	_ =	swait.ge @!p0 [sflag:s8], $0x0  }
0x24: {  	s3 =	sadd.s32 $0x88, s3;
	s6 =	simm.s32 @!p1 $0x1082;
	[sflag:s4] =	ssyncset.s32 $0xFFFFF086  }
0x25: {  	[simem:s6], [sflag:s4] =	dma.local [hbm:s3], $0xF7A  }
0x26: {  	[smem:$0x3F93] =	sst s1;
	(tag) =	ssettag s2;
	_ =	strace s9  }
0x27: {  	s1 =	sld [smem:$0x3FA3]  }
0x28: {  	s2 =	sld [smem:$0x3FA4]  }
0x29: {  	s4 =	sld [smem:$0x3FA6]  }
0x2a: {  	p0 =	seq.s32 s5, $0x0;
	s5 =	sld [smem:$0x3FA7]  }
0x2b: {  	s6 =	sld [smem:$0x3FA8]  }
0x2c: {  	s7 =	sld [smem:$0x3FA9]  }
0x2d: {  	s3 =	simm.s32 $0x108;
	s8 =	sld [smem:$0x3FAA]  }
0x2e: {  	s3 =	simm.s32 @!p0 $0x1082;
	s9 =	sld [smem:$0x3FAB]  }
0x2f: {  	lr =	sadd.s32 s0, s3;
	s0 =	sld [smem:$0x3FA2]  }
0x30: {  	s3 =	sld [smem:$0x3FA5]  }
0x31: {  	[smem:$0x3FAE] =	sst s10  }
0x32: {  	s10 =	sld [smem:$0x3FAC];
	_ =	sdelay $0x3  }
0x33: {  	p0 =	seq.s32 s10, $0x1;
	s10 =	sld [smem:$0x3FAE];
	_ =	sdelay $0x3  }
0x34: {  	[smem:$0x3FAE] =	sst s10  }
0x35: {  	s10 =	sld [smem:$0x3FAD];
	_ =	sdelay $0x3  }
0x36: {  	p1 =	seq.s32 s10, $0x1;
	s10 =	sld [smem:$0x3FAE];
	_ =	sdelay $0x3  }
0x37: {  	[smem:$0x3FAE] =	sst s10  }
0x38: {  	s10 =	sld [smem:$0x3FAF]  }
0x39: {  	_ = 	snop;
	(pc) =	sbr.ind lr, $3  }
0x3a: {  	_ = 	snop  }
0x3b: {  	_ = 	snop  }
0x3c: {  	p2 =	seq.s32 s10, $0x1;
	s10 =	sld [smem:$0x3FAE]  }
0x3d: {  	_ =	shalt  }
0x3e: {  	_ =	shalt  }
0x3f: {  	_ =	shalt  }
0x40: {  	_ =	shalt  }
0x41: {  	_ =	shalt  }
0x42: {  	_ =	shalt  }
0x43: {  	_ =	shalt  }
0x44: {  	_ =	shalt  }
0x45: {  	_ =	shalt  }
0x46: {  	_ =	shalt  }
0x47: {  	_ =	shalt  }
0x48: {  	_ =	shalt  }
0x49: {  	_ =	shalt  }
0x4a: {  	_ =	shalt  }
0x4b: {  	_ =	shalt  }
0x4c: {  	_ =	shalt  }
0x4d: {  	_ =	shalt  }
0x4e: {  	_ =	shalt  }
0x4f: {  	_ =	shalt  }
0x50: {  	_ =	shalt  }
0x51: {  	_ =	shalt  }
0x52: {  	_ =	shalt  }
0x53: {  	_ =	shalt  }
0x54: {  	_ =	shalt  }
0x55: {  	_ =	shalt  }
0x56: {  	_ =	shalt  }
0x57: {  	_ =	shalt  }
0x58: {  	_ =	shalt  }
0x59: {  	_ =	shalt  }
0x5a: {  	_ =	shalt  }
0x5b: {  	_ =	shalt  }
0x5c: {  	_ =	shalt  }
0x5d: {  	_ =	shalt  }
0x5e: {  	_ =	shalt  }
0x5f: {  	_ =	shalt  }
0x60: {  	_ =	shalt  }
0x61: {  	_ =	shalt  }
0x62: {  	_ =	shalt  }
0x63: {  	_ =	shalt  }
0x64: {  	_ =	shalt  }
0x65: {  	_ =	shalt  }
0x66: {  	_ =	shalt  }
0x67: {  	_ =	shalt  }
0x68: {  	_ =	shalt  }
0x69: {  	_ =	shalt  }
0x6a: {  	_ =	shalt  }
0x6b: {  	_ =	shalt  }
0x6c: {  	_ =	shalt  }
0x6d: {  	_ =	shalt  }
0x6e: {  	_ =	shalt  }
0x6f: {  	_ =	shalt  }
0x70: {  	_ =	shalt  }
0x71: {  	_ =	shalt  }
0x72: {  	_ =	shalt  }
0x73: {  	_ =	shalt  }
0x74: {  	_ =	shalt  }
0x75: {  	_ =	shalt  }
0x76: {  	_ =	shalt  }
0x77: {  	_ =	shalt  }
0x78: {  	_ =	shalt  }
0x79: {  	_ =	shalt  }
0x7a: {  	_ =	shalt  }
0x7b: {  	_ =	shalt  }
0x7c: {  	_ =	shalt  }
0x7d: {  	_ =	shalt  }
0x7e: {  	_ =	shalt  }
0x7f: {  	_ =	shalt  }
0x80: {  	_ =	shalt  }
0x81: {  	_ =	shalt  }
0x82: {  	_ =	shalt  }
0x83: {  	_ =	shalt  }
0x84: {  	_ =	shalt  }
0x85: {  	_ =	shalt  }
0x86: {  	_ =	shalt  }
0x87: {  	_ =	shalt  }
.Lfunc_end0:
.L_simem_size_0:
called_computation_lowered:
.L_overlay_start_0:
0x88: {  	s2 =	sld [smem:$0x3FD9]  }
0x89: {  	s3 =	sld [smem:$0x3FFE];
	_ =	sdelay $0x1  }
0x8a: {  	s1 =	srdreg.scid  }
0x8b: {  	s0 =	sand.u32 $0x1, s1  }
0x8c: {  	s17 =	sshll.u32 s0, $0xA;
	s2 =	sadd.s32 s3, s2  }
0x8d: {  	s2 =	sadd.s32 s2, s17  }
0x8e: {  	[smem:$0x3FBA] =	sst s2  }
0x8f: {  	_ = 	snop  }
0x90: {  	s2 =	sld [smem:$0x3FC9]  }
0x91: {  	s18 =	sld [smem:$0x3FC8]  }
0x92: {  	s4 =	sld [smem:$0x3FC7]  }
0x93: {  	s5 =	sld [smem:$0x3FC6];
	(tm) =	ssettm $0x1  }
0x94: {  	s6 =	sld [smem:$0x3FFB];
	_ =	sdelay $0x3  }
0x95: {  	_ =	strace s6  }
0x96: {  	s6 =	sld [smem:$0x3FFC];
	_ =	sdelay $0x3  }
0x97: {  	_ =	strace s6  }
0x98: {  	s6 =	sld [smem:$0x3FFD];
	_ =	sdelay $0x3  }
0x99: {  	_ =	strace s6  }
0x9a: {  	_ =	strace $0x8FFFFFFF  }
0x9b: {  	s19 =	sld [smem:$0x3FDB];
	_ =	sdelay $0x1  }
0x9c: {  	s7 =	simm.s32 $_scs_section_size  }
0x9d: {  	s8 =	simm.s32 $_size__tile_overlayer_lowered;
	s9 =	simm.s32 $_tile_overlayer_lowered  }
0x9e: {  	s22 =	simm.s32 $0x1BFF;
	s21 =	sshll.u32 s9, $0x1;
	s6 =	sadd.s32 s7, s19  }
0x9f: {  	s10 =	simm.s32 $0x0;
	s20 =	sshll.u32 s8, $0x1;
	s8 =	sadd.s32 s21, s6  }
0xa0: {  	[timem:s10], [sflag:s22] =	dma.local [hbm:s8], s20  }
0xa1: {  	_ =	swait.ge [sflag:s22], s20  }
0xa2: {  	s7 =	ssub.s32 $0x0, s20;
	[sflag:s22] =	ssyncset.done $0x0  }
0xa3: {  	[sflag:s22] =	ssyncadd.s32 s7;
	_ =	sdelay $0x1  }
0xa4: {  	s23 =	simm.s32 $0x1B8B  }
0xa5: {  	_ =	swait.ge [sflag:s23], $0x1  }
0xa6: {  	[sflag:s23] =	ssyncset.done $0x0  }
0xa7: {  	s25 =	simm.s32 $0x1B8E;
	s24 =	sld [smem:$0x3FFE];
	[sflag:s23] =	ssyncadd.s32 $0xFFFFFFFF  }
0xa8: {  	s26 =	simm.s32 $execute0_lowered;
	[smem:$0x3FD2] =	sst s25  }
0xa9: {  	s8 =	sshll.u32 s26, $0x1;
	_ =	strace $0x80000046;
	[dreg:$0x1] =	wrdreg $0xFFFFFFFF  }
0xaa: {  	s28 =	simm.s32 $_size_execute0_lowered;
	s6 =	sadd.s32 s6, s8;
	[dreg:$0x0] =	wrdreg $0x0  }
0xab: {  	s8 =	sshll.u32 s28, $0x1;
	[dreg:$0x2] =	wrdreg s6  }
0xac: {  	[dreg:$0x3] =	wrdreg s8  }
0xad: {  	[dreg:$0x4] =	wrdreg $0xC0  }
0xae: {  	_ =	task [dreg:s10], $0x5FFFF  }
0xaf: {  	[dreg:$0x1] =	wrdreg $0xFFFFFFFF  }
0xb0: {  	[dreg:$0x0] =	wrdreg $0x60  }
0xb1: {  	[dreg:$0x2] =	wrdreg s2  }
0xb2: {  	[dreg:$0x3] =	wrdreg s18  }
0xb3: {  	[dreg:$0x4] =	wrdreg s4  }
0xb4: {  	[dreg:$0x5] =	wrdreg s5  }
0xb5: {  	[dreg:$0x6] =	wrdreg s24  }
0xb6: {  	[dreg:$0x7] =	wrdreg $0x9  }
0xb7: {  	_ =	task.clear_ibuf [dreg:s10], $0x8FFFF;
	_ =	strace $0x90000046  }
0xb8: {  	s29 =	simm.s32 $0x9;
	_ =	strace $0x80000048  }
0xb9: {  	_ =	swait.ge [sflag:s29], $0x1  }
0xba: {  	[sflag:s29] =	ssyncadd.s32 $0xFFFFFFFF  }
0xbb: {  	_ =	strace $0x90000048  }
0xbc: {  	_ =	sfence  }
0xbd: {  	s30 =	sld [smem:$0x0];
	_ =	sdelay $0x2  }
0xbe: {  	s31 =	sshll.u32 s1, $0xD;
	s1 =	sshrl.u32 s1, $0x2  }
0xbf: {  	s3 =	sand.u32 $0x4000, s31;
	s1 =	sadd.s32 s1, s30  }
0xc0: {  	s0 =	sor.u32 s3, s0;
	s1 =	sshll.u32 s1, $0x11  }
0xc1: {  	s0 =	sor.u32 s1, s0  }
0xc2: {  	s0 =	sadd.s32 $0x8F2B, s0  }
0xc3: {  	[sflag:s0] =	ssyncadd.remote.s32 $0x1  }
0xc4: {  	_ =	sfence.sel $0xFFFF  }
0xc5: {  	[dreg:$0x0] =	wrdreg $0xFFFFFFFF;
	(pc) =	sbr.abs _section_cstart, $3  }
0xc6: {  	[dreg:$0x1] =	wrdreg $0xFFFFFFFF  }
0xc7: {  	_ =	task.clear_ibuf [dreg:s10], $0x2FFFF;
	_ =	strace $0x9FFFFFFF  }
0xc8: {  	(tm) =	ssettm $0x7FFFFFFF  }
0xc9: {  	_ =	shalt  }
tec
execute0_lowered:
.L_overlay_start_1:
0x0: {  	(tag) =	ssettag $0x1  }
0x1: {  	s1 =	rddreg [dreg:$0x0]  }
0x2: {  	s2 =	rddreg [dreg:$0x1]  }
0x3: {  	s3 =	rddreg [dreg:$0x2]  }
0x4: {  	s5 =	rddreg [dreg:$0x3]  }
0x5: {  	s0 =	rddreg [dreg:$0x4];
	s6 =	srdreg.scid  }
0x6: {  	s4 =	stileid.u32;
	s28 =	simm.s32 $0x7;
	s30 =	simm.s32 $0x800  }
0x7: {  	s31 =	simm.s32 $0x700;
	s7 =	sand.u32 $0x1, s6;
	s6 =	simm.s32 $0x0  }
0x8: {  	s8 =	sshll.u32 s4, $0x9;
	s24 =	sadd.s32 $0x1200, s0;
	s11 =	sadd.s32 $0x1E00, s0  }
0x9: {  	s15 =	sadd.s32 $0x2A00, s0;
	s17 =	sadd.s32 $0x62A00, s0;
	s9 =	sshll.u32 s7, $0x8  }
0xa: {  	s19 =	sadd.s32 $0xC2A00, s0;
	[smem:$0x7FF] =	sst s6;
	s8 =	sor.u32 s9, s8  }
0xb: {  	s0 =	sadd.s32 $0x122A00, s0;
	_ =	strace $0x80000047;
	s10 =	sshrl.u32 s8, $0x3  }
0xc: {  	s13 =	sor.u32 $0x2000, s8;
	s14 =	sor.u32 $0x4000, s8;
	s12 =	sadd.s32 s24, s10  }
0xd: {  	s8 =	sshll.u32 s8, $0x4;
	s10 =	sadd.s32 s11, s10;
	[dreg:$0x6] =	wrdreg s12  }
0xe: {  	s7 =	ssub.s32 $0x2, s7;
	s18 =	sadd.s32 s15, s8;
	[dreg:$0x7] =	wrdreg s10  }
0xf: {  	s25 =	sshrl.u32 s13, $0x3;
	s20 =	sadd.s32 s17, s8;
	[dreg:$0xc] =	wrdreg s18  }
0x10: {  	s4 =	sshrl.u32 s14, $0x3;
	s21 =	sadd.s32 s19, s8;
	[dreg:$0xd] =	wrdreg s20  }
0x11: {  	s8 =	sadd.s32 s0, s8;
	s22 =	sshll.u32 s13, $0x4;
	[dreg:$0xe] =	wrdreg s21  }
0x12: {  	s13 =	simm.s32 $0x300;
	s26 =	sadd.s32 s24, s25;
	[dreg:$0xf] =	wrdreg s8  }
0x13: {  	s29 =	sadd.s32 s11, s25;
	s9 =	sadd.s32 s24, s4;
	[dreg:$0x8] =	wrdreg s26  }
0x14: {  	s16 =	sadd.s32 s11, s4;
	s23 =	sadd.s32 s15, s22;
	[dreg:$0x9] =	wrdreg s29  }
0x15: {  	s24 =	sshrl.u32 s7, $0x1;
	s25 =	sadd.s32 s17, s22;
	[dreg:$0xa] =	wrdreg s9  }
0x16: {  	s18 =	simm.s32 $0x1;
	s20 =	simm.s32 $0x8A00;
	[dreg:$0xb] =	wrdreg s16  }
0x17: {  	s21 =	simm.s32 $0x10A00;
	[dreg:$0x10] =	wrdreg s23;
	s12 =	ssub.s32 s7, s24  }
0x18: {  	[dreg:$0x11] =	wrdreg s25;
	s26 =	sadd.s32 s19, s22;
	s7 =	sadd.s32 s0, s22  }
0x19: {  	s29 =	sshll.u32 s14, $0x4;
	s14 =	simm.s32 $0x100;
	s16 =	simm.s32 $0x200  }
0x1a: {  	s22 =	simm.s32 $0x2;
	s23 =	simm.s32 $0x5;
	s24 =	simm.s32 $0x3  }
0x1b: {  	s25 =	simm.s32 $0x6;
	[dreg:$0x12] =	wrdreg s26;
	s8 =	sadd.s32 s15, s29  }
0x1c: {  	s9 =	sadd.s32 s17, s29;
	s10 =	sadd.s32 s19, s29;
	s11 =	sadd.s32 s0, s29  }
0x1d: {  	s12 =	smax.u32 s12, $0x1;
	s15 =	simm.s32 $0x400;
	s17 =	simm.s32 $0x500  }
0x1e: {  	s19 =	simm.s32 $0xA00;
	s26 =	simm.s32 $0x4;
	s0 =	simm.s32 $0x900  }
.LBB2_1:
0x1f: {  	s4 =	rddreg [dreg:$0x6]  }
0x20: {  	[tilespmem:s6], [sflag:$0x1] =	stream.linear.gather [hbm4b:s4+s6], $0x100, $0x38;
	[tilespmem:$0x18A00] =	vst v63  }
0x21: {  	s29 =	rddreg [dreg:$0x7]  }
0x22: {  	[tilespmem:s13], [sflag:$0x1] =	stream.linear.gather [hbm4b:s29+s6], $0x100, $0x38;
	[tilespmem:$0x18A00] =	vst v63  }
0x23: {  	s4 =	rddreg [dreg:$0x8]  }
0x24: {  	[tilespmem:s14], [sflag:$0x1] =	stream.linear.gather [hbm4b:s4+s6], $0x100, $0x38;
	[tilespmem:$0x18A00] =	vst v63  }
0x25: {  	s29 =	rddreg [dreg:$0x9]  }
0x26: {  	[tilespmem:s15], [sflag:$0x1] =	stream.linear.gather [hbm4b:s29+s6], $0x100, $0x38;
	[tilespmem:$0x18A00] =	vst v63  }
0x27: {  	s4 =	rddreg [dreg:$0xa]  }
0x28: {  	[tilespmem:s16], [sflag:$0x1] =	stream.linear.gather [hbm4b:s4+s6], $0x100, $0x38;
	[tilespmem:$0x18A00] =	vst v63  }
0x29: {  	s29 =	rddreg [dreg:$0xb]  }
0x2a: {  	[tilespmem:s17], [sflag:$0x1] =	stream.linear.gather [hbm4b:s29+s6], $0x100, $0x38;
	[tilespmem:$0x18A00] =	vst v63  }
0x2b: {  	_ =	swait.ge [sflag:s18], $0x100  }
0x2c: {  	[sflag:s18] =	ssyncset.done $0x0  }
0x2d: {  	[sflag:s18] =	ssyncadd.s32 $0xFFFFFF00  }
0x2e: {  	_ =	swait.ge [sflag:s18], $0x100  }
0x2f: {  	[sflag:s18] =	ssyncset.done $0x0  }
0x30: {  	[sflag:s18] =	ssyncadd.s32 $0xFFFFFF00  }
0x31: {  	_ =	swait.ge [sflag:s18], $0x100  }
0x32: {  	[sflag:s18] =	ssyncset.done $0x0  }
0x33: {  	[sflag:s18] =	ssyncadd.s32 $0xFFFFFF00  }
0x34: {  	_ =	swait.ge [sflag:s18], $0x100  }
0x35: {  	[sflag:s18] =	ssyncset.done $0x0  }
0x36: {  	[sflag:s18] =	ssyncadd.s32 $0xFFFFFF00  }
0x37: {  	_ =	swait.ge [sflag:s18], $0x100  }
0x38: {  	[sflag:s18] =	ssyncset.done $0x0  }
0x39: {  	[sflag:s18] =	ssyncadd.s32 $0xFFFFFF00  }
0x3a: {  	_ =	swait.ge [sflag:s18], $0x100  }
0x3b: {  	[sflag:s18] =	ssyncset.done $0x0  }
0x3c: {  	[sflag:s18] =	ssyncadd.s32 $0xFFFFFF00  }
0x3d: {  	v0 =	vld [tilespmem:$0x100]  }
0x3e: {  	v1 =	vld [tilespmem:$0x110]  }
0x3f: {  	v2 =	vld [tilespmem:$0x120]  }
0x40: {  	v3 =	vld [tilespmem:$0x130]  }
0x41: {  	v4 =	vld [tilespmem:$0x140]  }
0x42: {  	v5 =	vld [tilespmem:$0x150];
	v0 =	vadd.s32 $0x186A0, v0  }
0x43: {  	v57 =	vld [tilespmem:$0x160];
	v56 =	vadd.s32 $0x186A0, v1;
	[tilespmem:$0x600] =	vst v0  }
0x44: {  	v59 =	vld [tilespmem:$0x170];
	v58 =	vadd.s32 $0x186A0, v2;
	[tilespmem:$0x610] =	vst v56  }
0x45: {  	v61 =	vld [tilespmem:$0x180];
	v60 =	vadd.s32 $0x186A0, v3;
	[tilespmem:$0x620] =	vst v58  }
0x46: {  	v63 =	vld [tilespmem:$0x190];
	v62 =	vadd.s32 $0x186A0, v4;
	[tilespmem:$0x630] =	vst v60  }
0x47: {  	v9 =	vld [tilespmem:$0x1A0];
	v8 =	vadd.s32 $0x186A0, v5;
	[tilespmem:$0x640] =	vst v62  }
0x48: {  	v11 =	vld [tilespmem:$0x1B0];
	v10 =	vadd.s32 $0x186A0, v57;
	[tilespmem:$0x650] =	vst v8  }
0x49: {  	v13 =	vld [tilespmem:$0x1C0];
	v12 =	vadd.s32 $0x186A0, v59;
	[tilespmem:$0x660] =	vst v10  }
0x4a: {  	v15 =	vld [tilespmem:$0x1D0];
	v14 =	vadd.s32 $0x186A0, v61;
	[tilespmem:$0x670] =	vst v12  }
0x4b: {  	v17 =	vld [tilespmem:$0x1E0];
	v16 =	vadd.s32 $0x186A0, v63;
	[tilespmem:$0x680] =	vst v14  }
0x4c: {  	v19 =	vld [tilespmem:$0x1F0];
	v18 =	vadd.s32 $0x186A0, v9;
	[tilespmem:$0x690] =	vst v16  }
0x4d: {  	v21 =	vld [tilespmem:$0x200];
	v20 =	vadd.s32 $0x186A0, v11;
	[tilespmem:$0x6A0] =	vst v18  }
0x4e: {  	v23 =	vld [tilespmem:$0x210];
	v22 =	vadd.s32 $0x186A0, v13;
	[tilespmem:$0x6B0] =	vst v20  }
0x4f: {  	v25 =	vld [tilespmem:$0x220];
	v24 =	vadd.s32 $0x186A0, v15;
	[tilespmem:$0x6C0] =	vst v22  }
0x50: {  	v27 =	vld [tilespmem:$0x230];
	v26 =	vadd.s32 $0x186A0, v17;
	[tilespmem:$0x6D0] =	vst v24  }
0x51: {  	v29 =	vld [tilespmem:$0x240];
	v28 =	vadd.s32 $0x186A0, v19;
	[tilespmem:$0x6E0] =	vst v26  }
0x52: {  	v31 =	vld [tilespmem:$0x250];
	v30 =	vadd.s32 $0x30D40, v21;
	[tilespmem:$0x6F0] =	vst v28  }
0x53: {  	v33 =	vld [tilespmem:$0x260];
	v32 =	vadd.s32 $0x30D40, v23;
	[tilespmem:$0x700] =	vst v30  }
0x54: {  	v35 =	vld [tilespmem:$0x270];
	v34 =	vadd.s32 $0x30D40, v25;
	[tilespmem:$0x710] =	vst v32  }
0x55: {  	v37 =	vld [tilespmem:$0x280];
	v36 =	vadd.s32 $0x30D40, v27;
	[tilespmem:$0x720] =	vst v34  }
0x56: {  	v39 =	vld [tilespmem:$0x290];
	v38 =	vadd.s32 $0x30D40, v29;
	[tilespmem:$0x730] =	vst v36  }
0x57: {  	v41 =	vld [tilespmem:$0x2A0];
	v40 =	vadd.s32 $0x30D40, v31;
	[tilespmem:$0x740] =	vst v38  }
0x58: {  	v43 =	vld [tilespmem:$0x2B0];
	v42 =	vadd.s32 $0x30D40, v33;
	[tilespmem:$0x750] =	vst v40  }
0x59: {  	v45 =	vld [tilespmem:$0x2C0];
	v44 =	vadd.s32 $0x30D40, v35;
	[tilespmem:$0x760] =	vst v42  }
0x5a: {  	v55 =	vld [tilespmem:$0x410];
	v46 =	vadd.s32 $0x30D40, v37;
	[tilespmem:$0x770] =	vst v44  }
0x5b: {  	v47 =	vld [tilespmem:$0x2D0];
	v48 =	vadd.s32 $0x30D40, v39;
	[tilespmem:$0x780] =	vst v46  }
0x5c: {  	v49 =	vld [tilespmem:$0x2E0];
	v50 =	vadd.s32 $0x30D40, v41;
	[tilespmem:$0x790] =	vst v48  }
0x5d: {  	v51 =	vld [tilespmem:$0x2F0];
	v52 =	vadd.s32 $0x30D40, v43;
	[tilespmem:$0x7A0] =	vst v50  }
0x5e: {  	v53 =	vld [tilespmem:$0x400];
	v54 =	vadd.s32 $0x30D40, v45;
	[tilespmem:$0x7B0] =	vst v52  }
0x5f: {  	v57 =	vld [tilespmem:$0x420];
	v7 =	vadd.s32 $0x186A0, v55;
	[tilespmem:$0x7C0] =	vst v54  }
0x60: {  	v59 =	vld [tilespmem:$0x430];
	v56 =	vadd.s32 $0x30D40, v47;
	[tilespmem:$0x810] =	vst v7  }
0x61: {  	v61 =	vld [tilespmem:$0x440];
	v58 =	vadd.s32 $0x30D40, v49;
	[tilespmem:$0x7D0] =	vst v56  }
0x62: {  	v63 =	vld [tilespmem:$0x450];
	v60 =	vadd.s32 $0x30D40, v51;
	[tilespmem:$0x7E0] =	vst v58  }
0x63: {  	v62 =	vadd.s32 $0x186A0, v53;
	v8 =	vld [tilespmem:$0x460];
	[tilespmem:$0x7F0] =	vst v60  }
0x64: {  	v10 =	vld [tilespmem:$0x470];
	[tilespmem:$0x800] =	vst v62;
	v9 =	vadd.s32 $0x186A0, v57  }
0x65: {  	v12 =	vld [tilespmem:$0x480];
	v11 =	vadd.s32 $0x186A0, v59;
	[tilespmem:$0x820] =	vst v9  }
0x66: {  	v14 =	vld [tilespmem:$0x490];
	v13 =	vadd.s32 $0x186A0, v61;
	[tilespmem:$0x830] =	vst v11  }
0x67: {  	v16 =	vld [tilespmem:$0x4A0];
	v15 =	vadd.s32 $0x186A0, v63;
	[tilespmem:$0x840] =	vst v13  }
0x68: {  	v18 =	vld [tilespmem:$0x4B0];
	[tilespmem:$0x850] =	vst v15;
	v17 =	vadd.s32 $0x186A0, v8  }
0x69: {  	v20 =	vld [tilespmem:$0x4C0];
	v19 =	vadd.s32 $0x186A0, v10;
	[tilespmem:$0x860] =	vst v17  }
0x6a: {  	v22 =	vld [tilespmem:$0x4D0];
	v21 =	vadd.s32 $0x186A0, v12;
	[tilespmem:$0x870] =	vst v19  }
0x6b: {  	v24 =	vld [tilespmem:$0x4E0];
	v23 =	vadd.s32 $0x186A0, v14;
	[tilespmem:$0x880] =	vst v21  }
0x6c: {  	v26 =	vld [tilespmem:$0x4F0];
	v25 =	vadd.s32 $0x186A0, v16;
	[tilespmem:$0x890] =	vst v23  }
0x6d: {  	v28 =	vld [tilespmem:$0x500];
	v27 =	vadd.s32 $0x186A0, v18;
	[tilespmem:$0x8A0] =	vst v25  }
0x6e: {  	v30 =	vld [tilespmem:$0x510];
	v29 =	vadd.s32 $0x186A0, v20;
	[tilespmem:$0x8B0] =	vst v27  }
0x6f: {  	v32 =	vld [tilespmem:$0x520];
	v31 =	vadd.s32 $0x186A0, v22;
	[tilespmem:$0x8C0] =	vst v29  }
0x70: {  	v34 =	vld [tilespmem:$0x530];
	v33 =	vadd.s32 $0x186A0, v24;
	[tilespmem:$0x8D0] =	vst v31  }
0x71: {  	v36 =	vld [tilespmem:$0x540];
	v35 =	vadd.s32 $0x186A0, v26;
	[tilespmem:$0x8E0] =	vst v33  }
0x72: {  	v38 =	vld [tilespmem:$0x550];
	v37 =	vadd.s32 $0x30D40, v28;
	[tilespmem:$0x8F0] =	vst v35  }
0x73: {  	v40 =	vld [tilespmem:$0x560];
	v39 =	vadd.s32 $0x30D40, v30;
	[tilespmem:$0x900] =	vst v37  }
0x74: {  	v42 =	vld [tilespmem:$0x570];
	v41 =	vadd.s32 $0x30D40, v32;
	[tilespmem:$0x910] =	vst v39  }
0x75: {  	v44 =	vld [tilespmem:$0x580];
	v43 =	vadd.s32 $0x30D40, v34;
	[tilespmem:$0x920] =	vst v41  }
0x76: {  	v46 =	vld [tilespmem:$0x590];
	v45 =	vadd.s32 $0x30D40, v36;
	[tilespmem:$0x930] =	vst v43  }
0x77: {  	v48 =	vld [tilespmem:$0x5A0];
	v47 =	vadd.s32 $0x30D40, v38;
	[tilespmem:$0x940] =	vst v45  }
0x78: {  	v50 =	vld [tilespmem:$0x5B0];
	v49 =	vadd.s32 $0x30D40, v40;
	[tilespmem:$0x950] =	vst v47  }
0x79: {  	v52 =	vld [tilespmem:$0x5C0];
	v51 =	vadd.s32 $0x30D40, v42;
	[tilespmem:$0x960] =	vst v49  }
0x7a: {  	v54 =	vld [tilespmem:$0x5D0];
	v53 =	vadd.s32 $0x30D40, v44;
	[tilespmem:$0x970] =	vst v51  }
0x7b: {  	v56 =	vld [tilespmem:$0x5E0];
	v55 =	vadd.s32 $0x30D40, v46;
	[tilespmem:$0x980] =	vst v53  }
0x7c: {  	v58 =	vld [tilespmem:$0x5F0];
	v57 =	vadd.s32 $0x30D40, v48;
	[tilespmem:$0x990] =	vst v55  }
0x7d: {  	v59 =	vadd.s32 $0x30D40, v50;
	[tilespmem:$0x9A0] =	vst v57  }
0x7e: {  	v60 =	vadd.s32 $0x30D40, v52;
	[tilespmem:$0x9B0] =	vst v59  }
0x7f: {  	v61 =	vadd.s32 $0x30D40, v54;
	[tilespmem:$0x9C0] =	vst v60  }
0x80: {  	[tilespmem:$0x9D0] =	vst v61;
	v62 =	vadd.s32 $0x30D40, v56  }
0x81: {  	v63 =	vadd.s32 $0x30D40, v58;
	[tilespmem:$0x9E0] =	vst v62  }
0x82: {  	[tilespmem:$0x9F0] =	vst v63  }
0x83: {  	[tilespmem:s19], [sflag:$0x2] =	stream.indirect.gather [hbm4b:s1+s14], $0x80, s6, s14, $0xb8;
	[tilespmem:$0x18A00] =	vst v63  }
0x84: {  	_ = 	snop  }
0x85: {  	[tilespmem:s20], [sflag:$0x3] =	stream.indirect.gather [hbm4b:s2+s14], $0x80, s6, s14, $0xb8;
	[tilespmem:$0x18A00] =	vst v63  }
0x86: {  	_ = 	snop  }
0x87: {  	[tilespmem:s21], [sflag:$0x4] =	stream.indirect.gather [hbm4b:s3+s14], $0x80, s13, s14, $0xb8;
	[tilespmem:$0x18A00] =	vst v63  }
0x88: {  	_ =	swait.ge [sflag:s22], $0x8000  }
0x89: {  	[sflag:s22] =	ssyncset.done $0x0  }
0x8a: {  	s29 =	rddreg [dreg:$0xc];
	[sflag:s22] =	ssyncadd.s32 $0xFFFF8000  }
0x8b: {  	[hbm4b:s29+s6] =	stream.linear.scatter [tilespmem:s19], [sflag:$0x5], $0x8000, $0x38;
	[tilespmem:$0x18A00] =	vst v63  }
0x8c: {  	_ =	swait.ge [sflag:s23], $0x8000  }
0x8d: {  	[sflag:s23] =	ssyncset.done $0x0  }
0x8e: {  	[sflag:s23] =	ssyncadd.s32 $0xFFFF8000  }
0x8f: {  	[tilespmem:s19], [sflag:$0x2] =	stream.indirect.gather [hbm4b:s5+s14], $0x80, s13, s14, $0xb8;
	[tilespmem:$0x18A00] =	vst v63  }
0x90: {  	_ =	swait.ge [sflag:s24], $0x8000  }
0x91: {  	[sflag:s24] =	ssyncset.done $0x0  }
0x92: {  	s29 =	rddreg [dreg:$0xd];
	[sflag:s24] =	ssyncadd.s32 $0xFFFF8000  }
0x93: {  	[hbm4b:s29+s6] =	stream.linear.scatter [tilespmem:s20], [sflag:$0x6], $0x8000, $0x38;
	[tilespmem:$0x18A00] =	vst v63  }
0x94: {  	_ =	swait.ge [sflag:s25], $0x8000  }
0x95: {  	[sflag:s25] =	ssyncset.done $0x0  }
0x96: {  	[sflag:s25] =	ssyncadd.s32 $0xFFFF8000  }
0x97: {  	[tilespmem:s20], [sflag:$0x3] =	stream.indirect.gather [hbm4b:s1+s14], $0x80, s14, s14, $0xb8;
	[tilespmem:$0x18A00] =	vst v63  }
0x98: {  	_ =	swait.ge [sflag:s26], $0x8000  }
0x99: {  	[sflag:s26] =	ssyncset.done $0x0  }
0x9a: {  	s29 =	rddreg [dreg:$0xe];
	[sflag:s26] =	ssyncadd.s32 $0xFFFF8000  }
0x9b: {  	[hbm4b:s29+s6] =	stream.linear.scatter [tilespmem:s21], [sflag:$0x7], $0x8000, $0x38;
	[tilespmem:$0x18A00] =	vst v63  }
0x9c: {  	_ =	swait.ge [sflag:s28], $0x8000  }
0x9d: {  	[sflag:s28] =	ssyncset.done $0x0  }
0x9e: {  	s29 =	simm.s32 $0x600;
	[sflag:s28] =	ssyncadd.s32 $0xFFFF8000  }
0x9f: {  	[tilespmem:s21], [sflag:$0x4] =	stream.indirect.gather [hbm4b:s2+s14], $0x80, s29, s14, $0xb8;
	[tilespmem:$0x18A00] =	vst v63  }
0xa0: {  	_ =	swait.ge [sflag:s22], $0x8000  }
0xa1: {  	[sflag:s22] =	ssyncset.done $0x0  }
0xa2: {  	s29 =	rddreg [dreg:$0xf];
	[sflag:s22] =	ssyncadd.s32 $0xFFFF8000  }
0xa3: {  	[hbm4b:s29+s6] =	stream.linear.scatter [tilespmem:s19], [sflag:$0x5], $0x8000, $0x38;
	[tilespmem:$0x18A00] =	vst v63  }
0xa4: {  	_ =	swait.ge [sflag:s23], $0x8000  }
0xa5: {  	[sflag:s23] =	ssyncset.done $0x0  }
0xa6: {  	[sflag:s23] =	ssyncadd.s32 $0xFFFF8000  }
0xa7: {  	[tilespmem:s19], [sflag:$0x2] =	stream.indirect.gather [hbm4b:s3+s14], $0x80, s15, s14, $0xb8;
	[tilespmem:$0x18A00] =	vst v63  }
0xa8: {  	_ =	swait.ge [sflag:s24], $0x8000  }
0xa9: {  	[sflag:s24] =	ssyncset.done $0x0  }
0xaa: {  	s29 =	rddreg [dreg:$0x10];
	[sflag:s24] =	ssyncadd.s32 $0xFFFF8000  }
0xab: {  	[hbm4b:s29+s6] =	stream.linear.scatter [tilespmem:s20], [sflag:$0x6], $0x8000, $0x38;
	[tilespmem:$0x18A00] =	vst v63  }
0xac: {  	_ =	swait.ge [sflag:s25], $0x8000  }
0xad: {  	[sflag:s25] =	ssyncset.done $0x0  }
0xae: {  	[sflag:s25] =	ssyncadd.s32 $0xFFFF8000  }
0xaf: {  	[tilespmem:s20], [sflag:$0x3] =	stream.indirect.gather [hbm4b:s5+s14], $0x80, s30, s14, $0xb8;
	[tilespmem:$0x18A00] =	vst v63  }
0xb0: {  	_ =	swait.ge [sflag:s26], $0x8000  }
0xb1: {  	[sflag:s26] =	ssyncset.done $0x0  }
0xb2: {  	s29 =	rddreg [dreg:$0x11];
	[sflag:s26] =	ssyncadd.s32 $0xFFFF8000  }
0xb3: {  	[hbm4b:s29+s6] =	stream.linear.scatter [tilespmem:s21], [sflag:$0x7], $0x8000, $0x38;
	[tilespmem:$0x18A00] =	vst v63  }
0xb4: {  	_ =	swait.ge [sflag:s28], $0x8000  }
0xb5: {  	[sflag:s28] =	ssyncset.done $0x0  }
0xb6: {  	[sflag:s28] =	ssyncadd.s32 $0xFFFF8000  }
0xb7: {  	[tilespmem:s21], [sflag:$0x4] =	stream.indirect.gather [hbm4b:s1+s14], $0x80, s16, s14, $0xb8;
	[tilespmem:$0x18A00] =	vst v63  }
0xb8: {  	_ =	swait.ge [sflag:s22], $0x8000  }
0xb9: {  	[sflag:s22] =	ssyncset.done $0x0  }
0xba: {  	s29 =	rddreg [dreg:$0x12];
	[sflag:s22] =	ssyncadd.s32 $0xFFFF8000  }
0xbb: {  	[hbm4b:s29+s6] =	stream.linear.scatter [tilespmem:s19], [sflag:$0x5], $0x8000, $0x38;
	[tilespmem:$0x18A00] =	vst v63  }
0xbc: {  	_ =	swait.ge [sflag:s23], $0x8000  }
0xbd: {  	[sflag:s23] =	ssyncset.done $0x0  }
0xbe: {  	[sflag:s23] =	ssyncadd.s32 $0xFFFF8000  }
0xbf: {  	[tilespmem:s19], [sflag:$0x2] =	stream.indirect.gather [hbm4b:s2+s14], $0x80, s31, s14, $0xb8;
	[tilespmem:$0x18A00] =	vst v63  }
0xc0: {  	_ =	swait.ge [sflag:s24], $0x8000  }
0xc1: {  	[sflag:s24] =	ssyncset.done $0x0  }
0xc2: {  	[sflag:s24] =	ssyncadd.s32 $0xFFFF8000  }
0xc3: {  	[hbm4b:s7+s6] =	stream.linear.scatter [tilespmem:s20], [sflag:$0x6], $0x8000, $0x38;
	[tilespmem:$0x18A00] =	vst v63  }
0xc4: {  	_ =	swait.ge [sflag:s25], $0x8000  }
0xc5: {  	[sflag:s25] =	ssyncset.done $0x0  }
0xc6: {  	[sflag:s25] =	ssyncadd.s32 $0xFFFF8000  }
0xc7: {  	[tilespmem:s20], [sflag:$0x3] =	stream.indirect.gather [hbm4b:s3+s14], $0x80, s17, s14, $0xb8;
	[tilespmem:$0x18A00] =	vst v63  }
0xc8: {  	_ =	swait.ge [sflag:s26], $0x8000  }
0xc9: {  	[sflag:s26] =	ssyncset.done $0x0  }
0xca: {  	[sflag:s26] =	ssyncadd.s32 $0xFFFF8000  }
0xcb: {  	[hbm4b:s8+s6] =	stream.linear.scatter [tilespmem:s21], [sflag:$0x7], $0x8000, $0x38;
	[tilespmem:$0x18A00] =	vst v63  }
0xcc: {  	_ =	swait.ge [sflag:s28], $0x8000  }
0xcd: {  	[sflag:s28] =	ssyncset.done $0x0  }
0xce: {  	[sflag:s28] =	ssyncadd.s32 $0xFFFF8000  }
0xcf: {  	[tilespmem:s21], [sflag:$0x4] =	stream.indirect.gather [hbm4b:s5+s14], $0x80, s0, s14, $0xb8;
	[tilespmem:$0x18A00] =	vst v63  }
0xd0: {  	_ =	swait.ge [sflag:s22], $0x8000  }
0xd1: {  	[sflag:s22] =	ssyncset.done $0x0  }
0xd2: {  	[sflag:s22] =	ssyncadd.s32 $0xFFFF8000  }
0xd3: {  	[hbm4b:s9+s6] =	stream.linear.scatter [tilespmem:s19], [sflag:$0x5], $0x8000, $0x38;
	[tilespmem:$0x18A00] =	vst v63  }
0xd4: {  	_ =	swait.ge [sflag:s24], $0x8000  }
0xd5: {  	[sflag:s24] =	ssyncset.done $0x0  }
0xd6: {  	[sflag:s24] =	ssyncadd.s32 $0xFFFF8000  }
0xd7: {  	[hbm4b:s10+s6] =	stream.linear.scatter [tilespmem:s20], [sflag:$0x6], $0x8000, $0x38;
	[tilespmem:$0x18A00] =	vst v63  }
0xd8: {  	_ =	swait.ge [sflag:s26], $0x8000  }
0xd9: {  	[sflag:s26] =	ssyncset.done $0x0  }
0xda: {  	[sflag:s26] =	ssyncadd.s32 $0xFFFF8000  }
0xdb: {  	[hbm4b:s11+s6] =	stream.linear.scatter [tilespmem:s21], [sflag:$0x7], $0x8000, $0x38;
	[tilespmem:$0x18A00] =	vst v63  }
0xdc: {  	_ =	swait.ge [sflag:s23], $0x8000  }
0xdd: {  	[sflag:s23] =	ssyncset.done $0x0  }
0xde: {  	[sflag:s23] =	ssyncadd.s32 $0xFFFF8000  }
0xdf: {  	p0 =	sne.s32 s12, $0x1;
	_ =	swait.ge [sflag:s25], $0x8000  }
.Ltmp0:
0xe0: {  	[sflag:s25] =	ssyncset.done $0x0;
	(pc) =	sbr.rel @p0 .LBB2_1-.Ltmp0, $4  }
0xe1: {  	[sflag:s25] =	ssyncadd.s32 $0xFFFF8000  }
0xe2: {  	_ =	swait.ge [sflag:s28], $0x8000  }
0xe3: {  	[sflag:s28] =	ssyncset.done $0x0  }
0xe4: {  	s12 =	sadd.s32 $0xFFFFFFFF, s12;
	[sflag:s28] =	ssyncadd.s32 $0xFFFF8000  }
0xe5: {  	_ =	sfence.sel $0x180000  }
0xe6: {  	[bflag:$0x0] =	sbarrier.arrive $0xFFFF  }
0xe7: {  	_ =	strace $0x90000047  }
0xe8: {  	s0 =	stileid.u32;
	[bflag:$0x2] =	sbarrier.arrive $0xFFFF  }
0xe9: {  	p0 =	sne.s32 s0, $0x0;
	s0 =	rddreg [dreg:$0x5]  }
0xea: {  	s0 =	sadd.s32 @!p0 $0x100000, s0  }
0xeb: {  	[sflag:s0] =	ssyncadd.tile.s32 @!p0 $0x1;
	_ =	shalt  }
.Lfunc_end2:
_tile_overlayer_lowered:
.L_overlay_start_2:
0xec: {  	(tag) =	ssettag $0x2  }
0xed: {  	s0 =	rddreg [dreg:$0x0];
	s2 =	stileid.u32  }
0xee: {  	s1 =	rddreg [dreg:$0x1];
	p0 =	sne.s32 s2, $0x0  }
0xef: {  	s3 =	rddreg [dreg:$0x2];
	[bflag:$0x3] =	sbarrier.arrive $0xFFFF;
	s2 =	simm.s32 @!p0 $0x1C08  }
0xf0: {  	[timem:s3], [sflag:s2] =	dma.local @!p0 [hbm:s0], s1  }
0xf1: {  	s0 =	simm.s32 @!p0 $0x8  }
0xf2: {  	_ =	swait.ge @!p0 [sflag:s0], s1  }
0xf3: {  	s1 =	ssub.s32 @!p0 $0x0, s1;
	[sflag:s0] =	ssyncset.done @!p0 $0x0  }
0xf4: {  	[sflag:s0] =	ssyncadd.s32 @!p0 s1  }
0xf5: {  	[bflag:$0x3] =	sbarrier.arrive $0xFFFF  }
0xf6: {  	_ =	shalt  }

</sc_bundles>
